<compile_context>
chip_gen: v7x
topology: tpu7x:2x2x1
jax: 0.10.2.dev20260603
libtpu: 0.0.44.dev20260713+nightly
codegen_flags: <defaults>
</compile_context>

<pallas_src>
import functools

import jax
import jax.numpy as jnp
from jax import lax
from jax.experimental import pallas as pl
from jax.experimental.pallas import tpu as pltpu
from jax.experimental.pallas import tpu_sc as plsc

VOCAB = 33
HIDDEN = 1024
N_TAB = 6
N_SC = 2
CHUNK = 32
TC_LIST = list(range(N_SC, N_TAB)) + list(range(N_TAB - 1, N_SC - 1, -1))


@jax.jit
def _gather_sc(idx2d, tabs):
    info = plsc.get_sparse_core_info()
    num_cores = info.num_cores
    nw = num_cores * info.num_subcores
    b = idx2d.shape[0] * idx2d.shape[1]
    b_per_w = b // nw
    n_chunks = b_per_w // CHUNK

    mesh = plsc.VectorSubcoreMesh(core_axis_name="c", subcore_axis_name="s")

    @functools.partial(
        pl.kernel,
        mesh=mesh,
        out_type=(
            [jax.ShapeDtypeStruct((b, HIDDEN), jnp.float32)] * (2 * N_SC)
            + [jax.ShapeDtypeStruct((nw, N_SC, VOCAB, HIDDEN), jnp.float32)]
        ),
        scratch_types=[
            pltpu.VMEM((n_chunks, CHUNK), jnp.int32),
            pltpu.VMEM((VOCAB, HIDDEN), jnp.float32),
            pltpu.VMEM((CHUNK, HIDDEN), jnp.float32),
            pltpu.VMEM((CHUNK, HIDDEN), jnp.float32),
            pltpu.SemaphoreType.DMA,
            pltpu.SemaphoreType.DMA,
        ],
    )
    def k(idx_hbm, tabs_hbm, *rest):
        outs = rest[:N_SC]
        douts = rest[N_SC:2 * N_SC]
        reps = rest[2 * N_SC]
        idx_v, tab_v, buf0, buf1, sem0, sem1 = rest[2 * N_SC + 1:]
        bufs = (buf0, buf1)
        sems = (sem0, sem1)
        s_idx = lax.axis_index("s")
        c_idx = lax.axis_index("c")
        wid = s_idx * num_cores + c_idx
        base = wid * b_per_w

        for t in range(N_SC):
            pltpu.sync_copy(tabs_hbm.at[t], tab_v)
            pltpu.sync_copy(tab_v, reps.at[wid, t])

        pltpu.sync_copy(idx_hbm.at[pl.ds(wid * n_chunks, n_chunks)], idx_v)

        def gather_start(tab, ck, bb):
            pltpu.async_copy(tab.at[idx_v.at[ck]], bufs[bb], sems[bb])

        def gather_wait(tab, ck, bb):
            pltpu.make_async_copy(tab.at[idx_v.at[ck]], bufs[bb],
                                  sems[bb]).wait()

        for t in range(N_SC):
            tab = reps.at[wid, t]
            out = outs[t]
            dout = douts[t]

            for bb in range(2):
                gather_start(tab, bb, bb)

            def pair(g, carry, _tab=tab, _out=out, _dout=dout):
                for bb in range(2):
                    ck = g * 2 + bb
                    gather_wait(_tab, ck, bb)
                    sl = pl.ds(base + ck * CHUNK, CHUNK)
                    pltpu.sync_copy(bufs[bb], _out.at[sl])
                    pltpu.sync_copy(bufs[bb], _dout.at[sl])
                    gather_start(_tab, ck + 2, bb)
                return carry

            lax.fori_loop(0, (n_chunks - 2) // 2, pair, 0)

            for bb in range(2):
                ck = n_chunks - 2 + bb
                gather_wait(tab, ck, bb)
                sl = pl.ds(base + ck * CHUNK, CHUNK)
                pltpu.sync_copy(bufs[bb], out.at[sl])
                pltpu.sync_copy(bufs[bb], dout.at[sl])

    return k(idx2d, tabs)[:2 * N_SC]


ROWS_BLK = 512


def _tc_body(idx_ref, tabs_ref, *out_refs):
    idx = idx_ref[...]
    cols = jax.lax.broadcasted_iota(jnp.int32, (1, 64), 1)
    oh = (idx == cols).astype(jnp.float32)
    dn = (((1,), (0,)), ((), ()))
    res = {}
    for t in sorted(set(TC_LIST)):
        res[t] = jax.lax.dot_general(
            oh, tabs_ref[t], dimension_numbers=dn,
            preferred_element_type=jnp.float32)
    for j, t in enumerate(TC_LIST):
        out_refs[j][...] = res[t]


def _tc_gather(idx_col, tabs_pad):
    b = idx_col.shape[0]
    grid = (b // ROWS_BLK,)
    return pl.pallas_call(
        _tc_body,
        grid=grid,
        in_specs=[
            pl.BlockSpec((ROWS_BLK, 1), lambda i: (i, 0)),
            pl.BlockSpec((N_TAB, 64, HIDDEN), lambda i: (0, 0, 0)),
        ],
        out_specs=[pl.BlockSpec((ROWS_BLK, HIDDEN), lambda i: (i, 0))
                   for _ in TC_LIST],
        out_shape=[jax.ShapeDtypeStruct((b, HIDDEN), jnp.float32)
                   for _ in TC_LIST],
    )(idx_col, tabs_pad)


def kernel(inputs, table_0, table_1, table_2, table_3, table_4, table_5):
    shape = inputs.shape
    idx_flat = inputs.reshape(-1).astype(jnp.int32)
    idx2d = idx_flat.reshape(-1, CHUNK)
    tabs = jnp.stack([table_0, table_1, table_2, table_3, table_4, table_5])
    sc_outs = _gather_sc(idx2d, tabs[:N_SC])
    tabs_pad = jnp.pad(tabs, ((0, 0), (0, 64 - VOCAB), (0, 0)))
    tc_outs = _tc_gather(idx_flat.reshape(-1, 1), tabs_pad)
    sc_u = [o.reshape(*shape, HIDDEN) for o in sc_outs[:N_SC]]
    sc_d = [o.reshape(*shape, HIDDEN) for o in sc_outs[N_SC:]]
    tv = [o.reshape(*shape, HIDDEN) for o in tc_outs]
    return tuple(sc_u + tv[:N_TAB - N_SC]
                 + tv[N_TAB - N_SC:] + sc_d[::-1])

# --- scband reference (transcript-rebuilt; emitter-appended) ---
"""Pipeline reference for scband-value-embedding-85014582657447 (READ-ONLY COPY).

The authoritative reference and input builder live on the scoring server;
editing this copy changes nothing except your own understanding.
"""

import jax, jax.numpy as jnp
import numpy as np

VOCAB = 33
HIDDEN = 1024
N_LAYERS = 12
N_EMB = N_LAYERS // 2

def setup_inputs(seed: int = 0) -> dict:
    key = jax.random.key(seed)
    k_idx, k_tab = jax.random.split(key)
    inputs = jax.random.randint(k_idx, (4, 8192), 0, VOCAB, dtype=jnp.int64 if jax.config.jax_enable_x64 else jnp.int32)
    tables = []
    for i in range(N_EMB):
        k_tab, sub = jax.random.split(k_tab)
        tables.append(jax.random.normal(sub, (VOCAB, HIDDEN), dtype=jnp.float32))
    d = {"inputs": inputs}
    for i, t in enumerate(tables):
        d[f"table_{i}"] = t
    return d

def reference(inputs, table_0, table_1, table_2, table_3, table_4, table_5):
    tables = [table_0, table_1, table_2, table_3, table_4, table_5]
    ve = [jnp.take(t, inputs, axis=0) for t in tables]
    ve = ve + ve[::-1]
    return tuple(ve)

if __name__ == "__main__":
    import jax
    _d = setup_inputs()
    print(jax.jit(kernel)(*tuple(_d.values())))

</pallas_src>

<mosaic_0001>
#map = affine_map<(d0, d1) -> (0, 0)>
#map1 = affine_map<(d0, d1) -> (0, 0, 0)>
#map2 = affine_map<(d0, d1) -> (0, 0, 0, 0)>
module attributes {stable_mosaic.version = 14 : i64} {
  func.func @k(%arg0: i32, %arg1: i32, %arg2: memref<1024x32xi32, #tpu.memory_space<hbm>>, %arg3: memref<2x33x1024xf32, #tpu.memory_space<hbm>>, %arg4: memref<32768x1024xf32, #tpu.memory_space<hbm>>, %arg5: memref<32768x1024xf32, #tpu.memory_space<hbm>>, %arg6: memref<32768x1024xf32, #tpu.memory_space<hbm>>, %arg7: memref<32768x1024xf32, #tpu.memory_space<hbm>>, %arg8: memref<32x2x33x1024xf32, #tpu.memory_space<hbm>>, %arg9: memref<32x32xi32, #tpu.memory_space<vmem>>, %arg10: memref<33x1024xf32, #tpu.memory_space<vmem>>, %arg11: memref<32x1024xf32, #tpu.memory_space<vmem>>, %arg12: memref<32x1024xf32, #tpu.memory_space<vmem>>, %arg13: memref<!tpu.dma_semaphore, #tpu.memory_space<semaphore_mem>>, %arg14: memref<!tpu.dma_semaphore, #tpu.memory_space<semaphore_mem>>) attributes {dimension_semantics = [#tpu.dimension_semantics<core_parallel>, #tpu.dimension_semantics<subcore_parallel>], iteration_bounds = array<i64: 2, 16>, scalar_prefetch = 0 : i64, scratch_operands = 6 : i64, tpu.core_type = #tpu.core_type<sc_vector_subcore>, window_params = [{transform_indices = #map}, {transform_indices = #map1}, {transform_indices = #map}, {transform_indices = #map}, {transform_indices = #map}, {transform_indices = #map}, {transform_indices = #map2}]} {
    %mul3A = arith.constant 2 : i32
    %mul3A_0 = arith.muli %arg1, %mul3A : i32
    %add3A = arith.addi %mul3A_0, %arg0 : i32
    %mul3A_1 = arith.constant 1024 : i32
    %mul3A_2 = arith.muli %add3A, %mul3A_1 : i32
    %run_scoped3A = arith.constant 0 : i32
    "tpu.region"() ({
      %run_scoped3A_123 = tpu.sem_alloc : memref<!tpu.dma_semaphore, #tpu.memory_space<semaphore_mem>>
      %dma_start3A_124 = arith.constant 0 : i32
      %dma_start3A_125 = arith.constant 0 : i32
      %dma_start3A_126 = tpu.memref_slice %arg3[%run_scoped3A, %dma_start3A_124, %dma_start3A_125] : memref<2x33x1024xf32, #tpu.memory_space<hbm>> -> memref<1x33x1024xf32, #tpu.memory_space<hbm>>
      %dma_start3A_127 = tpu.memref_squeeze %dma_start3A_126 : memref<1x33x1024xf32, #tpu.memory_space<hbm>> -> memref<33x1024xf32, #tpu.memory_space<hbm>>
      %dma_start3A_128 = arith.constant 0 : i32
      %dma_start3A_129 = arith.constant 0 : i32
      %dma_start3A_130 = tpu.memref_slice %arg3[%run_scoped3A, %dma_start3A_128, %dma_start3A_129] : memref<2x33x1024xf32, #tpu.memory_space<hbm>> -> memref<1x33x1024xf32, #tpu.memory_space<hbm>>
      %dma_start3A_131 = tpu.memref_squeeze %dma_start3A_130 : memref<1x33x1024xf32, #tpu.memory_space<hbm>> -> memref<33x1024xf32, #tpu.memory_space<hbm>>
      tpu.enqueue_dma source(%dma_start3A_131 : memref<33x1024xf32, #tpu.memory_space<hbm>>) target(%arg10 : memref<33x1024xf32, #tpu.memory_space<vmem>>) target_semaphore(%run_scoped3A_123 : memref<!tpu.dma_semaphore, #tpu.memory_space<semaphore_mem>>)
      %dma_wait3A_132 = arith.constant 0 : i32
      %dma_wait3A_133 = arith.constant 0 : i32
      %dma_wait3A_134 = tpu.memref_slice %arg3[%run_scoped3A, %dma_wait3A_132, %dma_wait3A_133] : memref<2x33x1024xf32, #tpu.memory_space<hbm>> -> memref<1x33x1024xf32, #tpu.memory_space<hbm>>
      %dma_wait3A_135 = tpu.memref_squeeze %dma_wait3A_134 : memref<1x33x1024xf32, #tpu.memory_space<hbm>> -> memref<33x1024xf32, #tpu.memory_space<hbm>>
      %dma_wait3A_136 = arith.constant 0 : i32
      %dma_wait3A_137 = arith.constant 0 : i32
      %dma_wait3A_138 = tpu.memref_slice %arg3[%run_scoped3A, %dma_wait3A_136, %dma_wait3A_137] : memref<2x33x1024xf32, #tpu.memory_space<hbm>> -> memref<1x33x1024xf32, #tpu.memory_space<hbm>>
      %dma_wait3A_139 = tpu.memref_squeeze %dma_wait3A_138 : memref<1x33x1024xf32, #tpu.memory_space<hbm>> -> memref<33x1024xf32, #tpu.memory_space<hbm>>
      tpu.wait_dma2 semaphore(%run_scoped3A_123 : memref<!tpu.dma_semaphore, #tpu.memory_space<semaphore_mem>>) src(%dma_wait3A_139 : memref<33x1024xf32, #tpu.memory_space<hbm>>) dst(%arg10 : memref<33x1024xf32, #tpu.memory_space<vmem>>)
      tpu.yield
    }) : () -> ()
    %run_scoped3A_3 = arith.constant 0 : i32
    "tpu.region"() ({
      %run_scoped3A_123 = tpu.sem_alloc : memref<!tpu.dma_semaphore, #tpu.memory_space<semaphore_mem>>
      %dma_start3A_124 = arith.constant 0 : i32
      %dma_start3A_125 = arith.constant 0 : i32
      %dma_start3A_126 = tpu.memref_slice %arg8[%add3A, %run_scoped3A_3, %dma_start3A_124, %dma_start3A_125] : memref<32x2x33x1024xf32, #tpu.memory_space<hbm>> -> memref<1x1x33x1024xf32, #tpu.memory_space<hbm>>
      %dma_start3A_127 = tpu.memref_squeeze %dma_start3A_126 : memref<1x1x33x1024xf32, #tpu.memory_space<hbm>> -> memref<33x1024xf32, #tpu.memory_space<hbm>>
      %dma_start3A_128 = arith.constant 0 : i32
      %dma_start3A_129 = arith.constant 0 : i32
      %dma_start3A_130 = tpu.memref_slice %arg8[%add3A, %run_scoped3A_3, %dma_start3A_128, %dma_start3A_129] : memref<32x2x33x1024xf32, #tpu.memory_space<hbm>> -> memref<1x1x33x1024xf32, #tpu.memory_space<hbm>>
      %dma_start3A_131 = tpu.memref_squeeze %dma_start3A_130 : memref<1x1x33x1024xf32, #tpu.memory_space<hbm>> -> memref<33x1024xf32, #tpu.memory_space<hbm>>
      tpu.enqueue_dma source(%arg10 : memref<33x1024xf32, #tpu.memory_space<vmem>>) target(%dma_start3A_131 : memref<33x1024xf32, #tpu.memory_space<hbm>>) target_semaphore(%run_scoped3A_123 : memref<!tpu.dma_semaphore, #tpu.memory_space<semaphore_mem>>)
      %dma_wait3A_132 = arith.constant 0 : i32
      %dma_wait3A_133 = arith.constant 0 : i32
      %dma_wait3A_134 = tpu.memref_slice %arg8[%add3A, %run_scoped3A_3, %dma_wait3A_132, %dma_wait3A_133] : memref<32x2x33x1024xf32, #tpu.memory_space<hbm>> -> memref<1x1x33x1024xf32, #tpu.memory_space<hbm>>
      %dma_wait3A_135 = tpu.memref_squeeze %dma_wait3A_134 : memref<1x1x33x1024xf32, #tpu.memory_space<hbm>> -> memref<33x1024xf32, #tpu.memory_space<hbm>>
      %dma_wait3A_136 = arith.constant 0 : i32
      %dma_wait3A_137 = arith.constant 0 : i32
      %dma_wait3A_138 = tpu.memref_slice %arg8[%add3A, %run_scoped3A_3, %dma_wait3A_136, %dma_wait3A_137] : memref<32x2x33x1024xf32, #tpu.memory_space<hbm>> -> memref<1x1x33x1024xf32, #tpu.memory_space<hbm>>
      %dma_wait3A_139 = tpu.memref_squeeze %dma_wait3A_138 : memref<1x1x33x1024xf32, #tpu.memory_space<hbm>> -> memref<33x1024xf32, #tpu.memory_space<hbm>>
      tpu.wait_dma2 semaphore(%run_scoped3A_123 : memref<!tpu.dma_semaphore, #tpu.memory_space<semaphore_mem>>) src(%arg10 : memref<33x1024xf32, #tpu.memory_space<vmem>>) dst(%dma_wait3A_139 : memref<33x1024xf32, #tpu.memory_space<hbm>>)
      tpu.yield
    }) : () -> ()
    %run_scoped3A_4 = arith.constant 1 : i32
    "tpu.region"() ({
      %run_scoped3A_123 = tpu.sem_alloc : memref<!tpu.dma_semaphore, #tpu.memory_space<semaphore_mem>>
      %dma_start3A_124 = arith.constant 0 : i32
      %dma_start3A_125 = arith.constant 0 : i32
      %dma_start3A_126 = tpu.memref_slice %arg3[%run_scoped3A_4, %dma_start3A_124, %dma_start3A_125] : memref<2x33x1024xf32, #tpu.memory_space<hbm>> -> memref<1x33x1024xf32, #tpu.memory_space<hbm>>
      %dma_start3A_127 = tpu.memref_squeeze %dma_start3A_126 : memref<1x33x1024xf32, #tpu.memory_space<hbm>> -> memref<33x1024xf32, #tpu.memory_space<hbm>>
      %dma_start3A_128 = arith.constant 0 : i32
      %dma_start3A_129 = arith.constant 0 : i32
      %dma_start3A_130 = tpu.memref_slice %arg3[%run_scoped3A_4, %dma_start3A_128, %dma_start3A_129] : memref<2x33x1024xf32, #tpu.memory_space<hbm>> -> memref<1x33x1024xf32, #tpu.memory_space<hbm>>
      %dma_start3A_131 = tpu.memref_squeeze %dma_start3A_130 : memref<1x33x1024xf32, #tpu.memory_space<hbm>> -> memref<33x1024xf32, #tpu.memory_space<hbm>>
      tpu.enqueue_dma source(%dma_start3A_131 : memref<33x1024xf32, #tpu.memory_space<hbm>>) target(%arg10 : memref<33x1024xf32, #tpu.memory_space<vmem>>) target_semaphore(%run_scoped3A_123 : memref<!tpu.dma_semaphore, #tpu.memory_space<semaphore_mem>>)
      %dma_wait3A_132 = arith.constant 0 : i32
      %dma_wait3A_133 = arith.constant 0 : i32
      %dma_wait3A_134 = tpu.memref_slice %arg3[%run_scoped3A_4, %dma_wait3A_132, %dma_wait3A_133] : memref<2x33x1024xf32, #tpu.memory_space<hbm>> -> memref<1x33x1024xf32, #tpu.memory_space<hbm>>
      %dma_wait3A_135 = tpu.memref_squeeze %dma_wait3A_134 : memref<1x33x1024xf32, #tpu.memory_space<hbm>> -> memref<33x1024xf32, #tpu.memory_space<hbm>>
      %dma_wait3A_136 = arith.constant 0 : i32
      %dma_wait3A_137 = arith.constant 0 : i32
      %dma_wait3A_138 = tpu.memref_slice %arg3[%run_scoped3A_4, %dma_wait3A_136, %dma_wait3A_137] : memref<2x33x1024xf32, #tpu.memory_space<hbm>> -> memref<1x33x1024xf32, #tpu.memory_space<hbm>>
      %dma_wait3A_139 = tpu.memref_squeeze %dma_wait3A_138 : memref<1x33x1024xf32, #tpu.memory_space<hbm>> -> memref<33x1024xf32, #tpu.memory_space<hbm>>
      tpu.wait_dma2 semaphore(%run_scoped3A_123 : memref<!tpu.dma_semaphore, #tpu.memory_space<semaphore_mem>>) src(%dma_wait3A_139 : memref<33x1024xf32, #tpu.memory_space<hbm>>) dst(%arg10 : memref<33x1024xf32, #tpu.memory_space<vmem>>)
      tpu.yield
    }) : () -> ()
    %run_scoped3A_5 = arith.constant 1 : i32
    "tpu.region"() ({
      %run_scoped3A_123 = tpu.sem_alloc : memref<!tpu.dma_semaphore, #tpu.memory_space<semaphore_mem>>
      %dma_start3A_124 = arith.constant 0 : i32
      %dma_start3A_125 = arith.constant 0 : i32
      %dma_start3A_126 = tpu.memref_slice %arg8[%add3A, %run_scoped3A_5, %dma_start3A_124, %dma_start3A_125] : memref<32x2x33x1024xf32, #tpu.memory_space<hbm>> -> memref<1x1x33x1024xf32, #tpu.memory_space<hbm>>
      %dma_start3A_127 = tpu.memref_squeeze %dma_start3A_126 : memref<1x1x33x1024xf32, #tpu.memory_space<hbm>> -> memref<33x1024xf32, #tpu.memory_space<hbm>>
      %dma_start3A_128 = arith.constant 0 : i32
      %dma_start3A_129 = arith.constant 0 : i32
      %dma_start3A_130 = tpu.memref_slice %arg8[%add3A, %run_scoped3A_5, %dma_start3A_128, %dma_start3A_129] : memref<32x2x33x1024xf32, #tpu.memory_space<hbm>> -> memref<1x1x33x1024xf32, #tpu.memory_space<hbm>>
      %dma_start3A_131 = tpu.memref_squeeze %dma_start3A_130 : memref<1x1x33x1024xf32, #tpu.memory_space<hbm>> -> memref<33x1024xf32, #tpu.memory_space<hbm>>
      tpu.enqueue_dma source(%arg10 : memref<33x1024xf32, #tpu.memory_space<vmem>>) target(%dma_start3A_131 : memref<33x1024xf32, #tpu.memory_space<hbm>>) target_semaphore(%run_scoped3A_123 : memref<!tpu.dma_semaphore, #tpu.memory_space<semaphore_mem>>)
      %dma_wait3A_132 = arith.constant 0 : i32
      %dma_wait3A_133 = arith.constant 0 : i32
      %dma_wait3A_134 = tpu.memref_slice %arg8[%add3A, %run_scoped3A_5, %dma_wait3A_132, %dma_wait3A_133] : memref<32x2x33x1024xf32, #tpu.memory_space<hbm>> -> memref<1x1x33x1024xf32, #tpu.memory_space<hbm>>
      %dma_wait3A_135 = tpu.memref_squeeze %dma_wait3A_134 : memref<1x1x33x1024xf32, #tpu.memory_space<hbm>> -> memref<33x1024xf32, #tpu.memory_space<hbm>>
      %dma_wait3A_136 = arith.constant 0 : i32
      %dma_wait3A_137 = arith.constant 0 : i32
      %dma_wait3A_138 = tpu.memref_slice %arg8[%add3A, %run_scoped3A_5, %dma_wait3A_136, %dma_wait3A_137] : memref<32x2x33x1024xf32, #tpu.memory_space<hbm>> -> memref<1x1x33x1024xf32, #tpu.memory_space<hbm>>
      %dma_wait3A_139 = tpu.memref_squeeze %dma_wait3A_138 : memref<1x1x33x1024xf32, #tpu.memory_space<hbm>> -> memref<33x1024xf32, #tpu.memory_space<hbm>>
      tpu.wait_dma2 semaphore(%run_scoped3A_123 : memref<!tpu.dma_semaphore, #tpu.memory_space<semaphore_mem>>) src(%arg10 : memref<33x1024xf32, #tpu.memory_space<vmem>>) dst(%dma_wait3A_139 : memref<33x1024xf32, #tpu.memory_space<hbm>>)
      tpu.yield
    }) : () -> ()
    %mul3A_6 = arith.constant 32 : i32
    %mul3A_7 = arith.muli %add3A, %mul3A_6 : i32
    "tpu.region"() ({
      %run_scoped3A_123 = tpu.sem_alloc : memref<!tpu.dma_semaphore, #tpu.memory_space<semaphore_mem>>
      %dma_start3A_124 = arith.constant 0 : i32
      %dma_start3A_125 = tpu.memref_slice %arg2[%mul3A_7, %dma_start3A_124] : memref<1024x32xi32, #tpu.memory_space<hbm>> -> memref<32x32xi32, #tpu.memory_space<hbm>>
      %dma_start3A_126 = arith.constant 0 : i32
      %dma_start3A_127 = tpu.memref_slice %arg2[%mul3A_7, %dma_start3A_126] : memref<1024x32xi32, #tpu.memory_space<hbm>> -> memref<32x32xi32, #tpu.memory_space<hbm>>
      tpu.enqueue_dma source(%dma_start3A_127 : memref<32x32xi32, #tpu.memory_space<hbm>>) target(%arg9 : memref<32x32xi32, #tpu.memory_space<vmem>>) target_semaphore(%run_scoped3A_123 : memref<!tpu.dma_semaphore, #tpu.memory_space<semaphore_mem>>)
      %dma_wait3A_128 = arith.constant 0 : i32
      %dma_wait3A_129 = tpu.memref_slice %arg2[%mul3A_7, %dma_wait3A_128] : memref<1024x32xi32, #tpu.memory_space<hbm>> -> memref<32x32xi32, #tpu.memory_space<hbm>>
      %dma_wait3A_130 = arith.constant 0 : i32
      %dma_wait3A_131 = tpu.memref_slice %arg2[%mul3A_7, %dma_wait3A_130] : memref<1024x32xi32, #tpu.memory_space<hbm>> -> memref<32x32xi32, #tpu.memory_space<hbm>>
      tpu.wait_dma2 semaphore(%run_scoped3A_123 : memref<!tpu.dma_semaphore, #tpu.memory_space<semaphore_mem>>) src(%dma_wait3A_131 : memref<32x32xi32, #tpu.memory_space<hbm>>) dst(%arg9 : memref<32x32xi32, #tpu.memory_space<vmem>>)
      tpu.yield
    }) : () -> ()
    %dma_start3A = arith.constant 0 : i32
    %dma_start3A_8 = arith.constant 0 : i32
    %dma_start3A_9 = arith.constant 0 : i32
    %dma_start3A_10 = tpu.memref_slice %arg9[%dma_start3A_8, %dma_start3A_9] : memref<32x32xi32, #tpu.memory_space<vmem>> -> memref<1x32xi32, #tpu.memory_space<vmem>>
    %dma_start3A_11 = tpu.memref_squeeze %dma_start3A_10 : memref<1x32xi32, #tpu.memory_space<vmem>> -> memref<32xi32, #tpu.memory_space<vmem>>
    %dma_start3A_12 = arith.constant 0 : i32
    %dma_start3A_13 = arith.constant 0 : i32
    %dma_start3A_14 = tpu.memref_slice %arg8[%add3A, %dma_start3A, %dma_start3A_12, %dma_start3A_13] : memref<32x2x33x1024xf32, #tpu.memory_space<hbm>> -> memref<1x1x33x1024xf32, #tpu.memory_space<hbm>>
    %dma_start3A_15 = tpu.memref_squeeze %dma_start3A_14 : memref<1x1x33x1024xf32, #tpu.memory_space<hbm>> -> memref<33x1024xf32, #tpu.memory_space<hbm>>
    %dma_start3A_16 = arith.constant 0 : i32
    %dma_start3A_17 = arith.constant 0 : i32
    %dma_start3A_18 = tpu.memref_slice %dma_start3A_15[%dma_start3A_16, %dma_start3A_17] : memref<33x1024xf32, #tpu.memory_space<hbm>> -> memref<33x1024xf32, #tpu.memory_space<hbm>>
    tpu.enqueue_indirect_dma source(%dma_start3A_18 : memref<33x1024xf32, #tpu.memory_space<hbm>>) target(%arg11 : memref<32x1024xf32, #tpu.memory_space<vmem>>) offsets(%dma_start3A_11 : memref<32xi32, #tpu.memory_space<vmem>>) semaphore(%arg13 : memref<!tpu.dma_semaphore, #tpu.memory_space<semaphore_mem>>)
    %dma_start3A_19 = arith.constant 0 : i32
    %dma_start3A_20 = arith.constant 1 : i32
    %dma_start3A_21 = arith.constant 0 : i32
    %dma_start3A_22 = tpu.memref_slice %arg9[%dma_start3A_20, %dma_start3A_21] : memref<32x32xi32, #tpu.memory_space<vmem>> -> memref<1x32xi32, #tpu.memory_space<vmem>>
    %dma_start3A_23 = tpu.memref_squeeze %dma_start3A_22 : memref<1x32xi32, #tpu.memory_space<vmem>> -> memref<32xi32, #tpu.memory_space<vmem>>
    %dma_start3A_24 = arith.constant 0 : i32
    %dma_start3A_25 = arith.constant 0 : i32
    %dma_start3A_26 = tpu.memref_slice %arg8[%add3A, %dma_start3A_19, %dma_start3A_24, %dma_start3A_25] : memref<32x2x33x1024xf32, #tpu.memory_space<hbm>> -> memref<1x1x33x1024xf32, #tpu.memory_space<hbm>>
    %dma_start3A_27 = tpu.memref_squeeze %dma_start3A_26 : memref<1x1x33x1024xf32, #tpu.memory_space<hbm>> -> memref<33x1024xf32, #tpu.memory_space<hbm>>
    %dma_start3A_28 = arith.constant 0 : i32
    %dma_start3A_29 = arith.constant 0 : i32
    %dma_start3A_30 = tpu.memref_slice %dma_start3A_27[%dma_start3A_28, %dma_start3A_29] : memref<33x1024xf32, #tpu.memory_space<hbm>> -> memref<33x1024xf32, #tpu.memory_space<hbm>>
    tpu.enqueue_indirect_dma source(%dma_start3A_30 : memref<33x1024xf32, #tpu.memory_space<hbm>>) target(%arg12 : memref<32x1024xf32, #tpu.memory_space<vmem>>) offsets(%dma_start3A_23 : memref<32xi32, #tpu.memory_space<vmem>>) semaphore(%arg14 : memref<!tpu.dma_semaphore, #tpu.memory_space<semaphore_mem>>)
    %scan3A = arith.constant 0 : i32
    %scan3A_31 = arith.constant 0 : i32
    %scan3A_32 = arith.constant 0 : i32
    %scan3A_33 = arith.constant 15 : i32
    %scan3A_34 = arith.addi %scan3A_32, %scan3A_33 : i32
    %scan3A_35 = arith.constant 1 : i32
    scf.for %scan3A_123 = %scan3A_32 to %scan3A_34 step %scan3A_35  : i32 {
      %mul3A_124 = arith.constant 2 : i32
      %mul3A_125 = arith.muli %scan3A_123, %mul3A_124 : i32
      %add3A_126 = arith.constant 0 : i32
      %add3A_127 = arith.addi %mul3A_125, %add3A_126 : i32
      %dma_wait3A_128 = arith.constant 0 : i32
      %dma_wait3A_129 = tpu.memref_slice %arg9[%add3A_127, %dma_wait3A_128] : memref<32x32xi32, #tpu.memory_space<vmem>> -> memref<1x32xi32, #tpu.memory_space<vmem>>
      %dma_wait3A_130 = tpu.memref_squeeze %dma_wait3A_129 : memref<1x32xi32, #tpu.memory_space<vmem>> -> memref<32xi32, #tpu.memory_space<vmem>>
      %dma_wait3A_131 = arith.constant 0 : i32
      %dma_wait3A_132 = arith.constant 0 : i32
      %dma_wait3A_133 = tpu.memref_slice %arg8[%add3A, %scan3A_31, %dma_wait3A_131, %dma_wait3A_132] : memref<32x2x33x1024xf32, #tpu.memory_space<hbm>> -> memref<1x1x33x1024xf32, #tpu.memory_space<hbm>>
      %dma_wait3A_134 = tpu.memref_squeeze %dma_wait3A_133 : memref<1x1x33x1024xf32, #tpu.memory_space<hbm>> -> memref<33x1024xf32, #tpu.memory_space<hbm>>
      %dma_wait3A_135 = arith.constant 0 : i32
      %dma_wait3A_136 = arith.constant 0 : i32
      %dma_wait3A_137 = tpu.memref_slice %dma_wait3A_134[%dma_wait3A_135, %dma_wait3A_136] : memref<33x1024xf32, #tpu.memory_space<hbm>> -> memref<33x1024xf32, #tpu.memory_space<hbm>>
      tpu.wait_indirect_dma semaphore(%arg13 : memref<!tpu.dma_semaphore, #tpu.memory_space<semaphore_mem>>) src(%dma_wait3A_137 : memref<33x1024xf32, #tpu.memory_space<hbm>>) dst(%arg11 : memref<32x1024xf32, #tpu.memory_space<vmem>>)
      %mul3A_138 = arith.constant 32 : i32
      %mul3A_139 = arith.muli %add3A_127, %mul3A_138 : i32
      %add3A_140 = arith.addi %mul3A_2, %mul3A_139 : i32
      "tpu.region"() ({
        %run_scoped3A_182 = tpu.sem_alloc : memref<!tpu.dma_semaphore, #tpu.memory_space<semaphore_mem>>
        %dma_start3A_183 = arith.constant 0 : i32
        %dma_start3A_184 = tpu.memref_slice %arg4[%add3A_140, %dma_start3A_183] : memref<32768x1024xf32, #tpu.memory_space<hbm>> -> memref<32x1024xf32, #tpu.memory_space<hbm>>
        %dma_start3A_185 = arith.constant 0 : i32
        %dma_start3A_186 = tpu.memref_slice %arg4[%add3A_140, %dma_start3A_185] : memref<32768x1024xf32, #tpu.memory_space<hbm>> -> memref<32x1024xf32, #tpu.memory_space<hbm>>
        tpu.enqueue_dma source(%arg11 : memref<32x1024xf32, #tpu.memory_space<vmem>>) target(%dma_start3A_186 : memref<32x1024xf32, #tpu.memory_space<hbm>>) target_semaphore(%run_scoped3A_182 : memref<!tpu.dma_semaphore, #tpu.memory_space<semaphore_mem>>)
        %dma_wait3A_187 = arith.constant 0 : i32
        %dma_wait3A_188 = tpu.memref_slice %arg4[%add3A_140, %dma_wait3A_187] : memref<32768x1024xf32, #tpu.memory_space<hbm>> -> memref<32x1024xf32, #tpu.memory_space<hbm>>
        %dma_wait3A_189 = arith.constant 0 : i32
        %dma_wait3A_190 = tpu.memref_slice %arg4[%add3A_140, %dma_wait3A_189] : memref<32768x1024xf32, #tpu.memory_space<hbm>> -> memref<32x1024xf32, #tpu.memory_space<hbm>>
        tpu.wait_dma2 semaphore(%run_scoped3A_182 : memref<!tpu.dma_semaphore, #tpu.memory_space<semaphore_mem>>) src(%arg11 : memref<32x1024xf32, #tpu.memory_space<vmem>>) dst(%dma_wait3A_190 : memref<32x1024xf32, #tpu.memory_space<hbm>>)
        tpu.yield
      }) : () -> ()
      "tpu.region"() ({
        %run_scoped3A_182 = tpu.sem_alloc : memref<!tpu.dma_semaphore, #tpu.memory_space<semaphore_mem>>
        %dma_start3A_183 = arith.constant 0 : i32
        %dma_start3A_184 = tpu.memref_slice %arg6[%add3A_140, %dma_start3A_183] : memref<32768x1024xf32, #tpu.memory_space<hbm>> -> memref<32x1024xf32, #tpu.memory_space<hbm>>
        %dma_start3A_185 = arith.constant 0 : i32
        %dma_start3A_186 = tpu.memref_slice %arg6[%add3A_140, %dma_start3A_185] : memref<32768x1024xf32, #tpu.memory_space<hbm>> -> memref<32x1024xf32, #tpu.memory_space<hbm>>
        tpu.enqueue_dma source(%arg11 : memref<32x1024xf32, #tpu.memory_space<vmem>>) target(%dma_start3A_186 : memref<32x1024xf32, #tpu.memory_space<hbm>>) target_semaphore(%run_scoped3A_182 : memref<!tpu.dma_semaphore, #tpu.memory_space<semaphore_mem>>)
        %dma_wait3A_187 = arith.constant 0 : i32
        %dma_wait3A_188 = tpu.memref_slice %arg6[%add3A_140, %dma_wait3A_187] : memref<32768x1024xf32, #tpu.memory_space<hbm>> -> memref<32x1024xf32, #tpu.memory_space<hbm>>
        %dma_wait3A_189 = arith.constant 0 : i32
        %dma_wait3A_190 = tpu.memref_slice %arg6[%add3A_140, %dma_wait3A_189] : memref<32768x1024xf32, #tpu.memory_space<hbm>> -> memref<32x1024xf32, #tpu.memory_space<hbm>>
        tpu.wait_dma2 semaphore(%run_scoped3A_182 : memref<!tpu.dma_semaphore, #tpu.memory_space<semaphore_mem>>) src(%arg11 : memref<32x1024xf32, #tpu.memory_space<vmem>>) dst(%dma_wait3A_190 : memref<32x1024xf32, #tpu.memory_space<hbm>>)
        tpu.yield
      }) : () -> ()
      %add3A_141 = arith.constant 2 : i32
      %add3A_142 = arith.addi %add3A_127, %add3A_141 : i32
      %dma_start3A_143 = arith.constant 0 : i32
      %dma_start3A_144 = tpu.memref_slice %arg9[%add3A_142, %dma_start3A_143] : memref<32x32xi32, #tpu.memory_space<vmem>> -> memref<1x32xi32, #tpu.memory_space<vmem>>
      %dma_start3A_145 = tpu.memref_squeeze %dma_start3A_144 : memref<1x32xi32, #tpu.memory_space<vmem>> -> memref<32xi32, #tpu.memory_space<vmem>>
      %dma_start3A_146 = arith.constant 0 : i32
      %dma_start3A_147 = arith.constant 0 : i32
      %dma_start3A_148 = tpu.memref_slice %arg8[%add3A, %scan3A_31, %dma_start3A_146, %dma_start3A_147] : memref<32x2x33x1024xf32, #tpu.memory_space<hbm>> -> memref<1x1x33x1024xf32, #tpu.memory_space<hbm>>
      %dma_start3A_149 = tpu.memref_squeeze %dma_start3A_148 : memref<1x1x33x1024xf32, #tpu.memory_space<hbm>> -> memref<33x1024xf32, #tpu.memory_space<hbm>>
      %dma_start3A_150 = arith.constant 0 : i32
      %dma_start3A_151 = arith.constant 0 : i32
      %dma_start3A_152 = tpu.memref_slice %dma_start3A_149[%dma_start3A_150, %dma_start3A_151] : memref<33x1024xf32, #tpu.memory_space<hbm>> -> memref<33x1024xf32, #tpu.memory_space<hbm>>
      tpu.enqueue_indirect_dma source(%dma_start3A_152 : memref<33x1024xf32, #tpu.memory_space<hbm>>) target(%arg11 : memref<32x1024xf32, #tpu.memory_space<vmem>>) offsets(%dma_start3A_145 : memref<32xi32, #tpu.memory_space<vmem>>) semaphore(%arg13 : memref<!tpu.dma_semaphore, #tpu.memory_space<semaphore_mem>>)
      %mul3A_153 = arith.constant 2 : i32
      %mul3A_154 = arith.muli %scan3A_123, %mul3A_153 : i32
      %add3A_155 = arith.constant 1 : i32
      %add3A_156 = arith.addi %mul3A_154, %add3A_155 : i32
      %dma_wait3A_157 = arith.constant 0 : i32
      %dma_wait3A_158 = tpu.memref_slice %arg9[%add3A_156, %dma_wait3A_157] : memref<32x32xi32, #tpu.memory_space<vmem>> -> memref<1x32xi32, #tpu.memory_space<vmem>>
      %dma_wait3A_159 = tpu.memref_squeeze %dma_wait3A_158 : memref<1x32xi32, #tpu.memory_space<vmem>> -> memref<32xi32, #tpu.memory_space<vmem>>
      %dma_wait3A_160 = arith.constant 0 : i32
      %dma_wait3A_161 = arith.constant 0 : i32
      %dma_wait3A_162 = tpu.memref_slice %arg8[%add3A, %scan3A_31, %dma_wait3A_160, %dma_wait3A_161] : memref<32x2x33x1024xf32, #tpu.memory_space<hbm>> -> memref<1x1x33x1024xf32, #tpu.memory_space<hbm>>
      %dma_wait3A_163 = tpu.memref_squeeze %dma_wait3A_162 : memref<1x1x33x1024xf32, #tpu.memory_space<hbm>> -> memref<33x1024xf32, #tpu.memory_space<hbm>>
      %dma_wait3A_164 = arith.constant 0 : i32
      %dma_wait3A_165 = arith.constant 0 : i32
      %dma_wait3A_166 = tpu.memref_slice %dma_wait3A_163[%dma_wait3A_164, %dma_wait3A_165] : memref<33x1024xf32, #tpu.memory_space<hbm>> -> memref<33x1024xf32, #tpu.memory_space<hbm>>
      tpu.wait_indirect_dma semaphore(%arg14 : memref<!tpu.dma_semaphore, #tpu.memory_space<semaphore_mem>>) src(%dma_wait3A_166 : memref<33x1024xf32, #tpu.memory_space<hbm>>) dst(%arg12 : memref<32x1024xf32, #tpu.memory_space<vmem>>)
      %mul3A_167 = arith.constant 32 : i32
      %mul3A_168 = arith.muli %add3A_156, %mul3A_167 : i32
      %add3A_169 = arith.addi %mul3A_2, %mul3A_168 : i32
      "tpu.region"() ({
        %run_scoped3A_182 = tpu.sem_alloc : memref<!tpu.dma_semaphore, #tpu.memory_space<semaphore_mem>>
        %dma_start3A_183 = arith.constant 0 : i32
        %dma_start3A_184 = tpu.memref_slice %arg4[%add3A_169, %dma_start3A_183] : memref<32768x1024xf32, #tpu.memory_space<hbm>> -> memref<32x1024xf32, #tpu.memory_space<hbm>>
        %dma_start3A_185 = arith.constant 0 : i32
        %dma_start3A_186 = tpu.memref_slice %arg4[%add3A_169, %dma_start3A_185] : memref<32768x1024xf32, #tpu.memory_space<hbm>> -> memref<32x1024xf32, #tpu.memory_space<hbm>>
        tpu.enqueue_dma source(%arg12 : memref<32x1024xf32, #tpu.memory_space<vmem>>) target(%dma_start3A_186 : memref<32x1024xf32, #tpu.memory_space<hbm>>) target_semaphore(%run_scoped3A_182 : memref<!tpu.dma_semaphore, #tpu.memory_space<semaphore_mem>>)
        %dma_wait3A_187 = arith.constant 0 : i32
        %dma_wait3A_188 = tpu.memref_slice %arg4[%add3A_169, %dma_wait3A_187] : memref<32768x1024xf32, #tpu.memory_space<hbm>> -> memref<32x1024xf32, #tpu.memory_space<hbm>>
        %dma_wait3A_189 = arith.constant 0 : i32
        %dma_wait3A_190 = tpu.memref_slice %arg4[%add3A_169, %dma_wait3A_189] : memref<32768x1024xf32, #tpu.memory_space<hbm>> -> memref<32x1024xf32, #tpu.memory_space<hbm>>
        tpu.wait_dma2 semaphore(%run_scoped3A_182 : memref<!tpu.dma_semaphore, #tpu.memory_space<semaphore_mem>>) src(%arg12 : memref<32x1024xf32, #tpu.memory_space<vmem>>) dst(%dma_wait3A_190 : memref<32x1024xf32, #tpu.memory_space<hbm>>)
        tpu.yield
      }) : () -> ()
      "tpu.region"() ({
        %run_scoped3A_182 = tpu.sem_alloc : memref<!tpu.dma_semaphore, #tpu.memory_space<semaphore_mem>>
        %dma_start3A_183 = arith.constant 0 : i32
        %dma_start3A_184 = tpu.memref_slice %arg6[%add3A_169, %dma_start3A_183] : memref<32768x1024xf32, #tpu.memory_space<hbm>> -> memref<32x1024xf32, #tpu.memory_space<hbm>>
        %dma_start3A_185 = arith.constant 0 : i32
        %dma_start3A_186 = tpu.memref_slice %arg6[%add3A_169, %dma_start3A_185] : memref<32768x1024xf32, #tpu.memory_space<hbm>> -> memref<32x1024xf32, #tpu.memory_space<hbm>>
        tpu.enqueue_dma source(%arg12 : memref<32x1024xf32, #tpu.memory_space<vmem>>) target(%dma_start3A_186 : memref<32x1024xf32, #tpu.memory_space<hbm>>) target_semaphore(%run_scoped3A_182 : memref<!tpu.dma_semaphore, #tpu.memory_space<semaphore_mem>>)
        %dma_wait3A_187 = arith.constant 0 : i32
        %dma_wait3A_188 = tpu.memref_slice %arg6[%add3A_169, %dma_wait3A_187] : memref<32768x1024xf32, #tpu.memory_space<hbm>> -> memref<32x1024xf32, #tpu.memory_space<hbm>>
        %dma_wait3A_189 = arith.constant 0 : i32
        %dma_wait3A_190 = tpu.memref_slice %arg6[%add3A_169, %dma_wait3A_189] : memref<32768x1024xf32, #tpu.memory_space<hbm>> -> memref<32x1024xf32, #tpu.memory_space<hbm>>
        tpu.wait_dma2 semaphore(%run_scoped3A_182 : memref<!tpu.dma_semaphore, #tpu.memory_space<semaphore_mem>>) src(%arg12 : memref<32x1024xf32, #tpu.memory_space<vmem>>) dst(%dma_wait3A_190 : memref<32x1024xf32, #tpu.memory_space<hbm>>)
        tpu.yield
      }) : () -> ()
      %add3A_170 = arith.constant 2 : i32
      %add3A_171 = arith.addi %add3A_156, %add3A_170 : i32
      %dma_start3A_172 = arith.constant 0 : i32
      %dma_start3A_173 = tpu.memref_slice %arg9[%add3A_171, %dma_start3A_172] : memref<32x32xi32, #tpu.memory_space<vmem>> -> memref<1x32xi32, #tpu.memory_space<vmem>>
      %dma_start3A_174 = tpu.memref_squeeze %dma_start3A_173 : memref<1x32xi32, #tpu.memory_space<vmem>> -> memref<32xi32, #tpu.memory_space<vmem>>
      %dma_start3A_175 = arith.constant 0 : i32
      %dma_start3A_176 = arith.constant 0 : i32
      %dma_start3A_177 = tpu.memref_slice %arg8[%add3A, %scan3A_31, %dma_start3A_175, %dma_start3A_176] : memref<32x2x33x1024xf32, #tpu.memory_space<hbm>> -> memref<1x1x33x1024xf32, #tpu.memory_space<hbm>>
      %dma_start3A_178 = tpu.memref_squeeze %dma_start3A_177 : memref<1x1x33x1024xf32, #tpu.memory_space<hbm>> -> memref<33x1024xf32, #tpu.memory_space<hbm>>
      %dma_start3A_179 = arith.constant 0 : i32
      %dma_start3A_180 = arith.constant 0 : i32
      %dma_start3A_181 = tpu.memref_slice %dma_start3A_178[%dma_start3A_179, %dma_start3A_180] : memref<33x1024xf32, #tpu.memory_space<hbm>> -> memref<33x1024xf32, #tpu.memory_space<hbm>>
      tpu.enqueue_indirect_dma source(%dma_start3A_181 : memref<33x1024xf32, #tpu.memory_space<hbm>>) target(%arg12 : memref<32x1024xf32, #tpu.memory_space<vmem>>) offsets(%dma_start3A_174 : memref<32xi32, #tpu.memory_space<vmem>>) semaphore(%arg14 : memref<!tpu.dma_semaphore, #tpu.memory_space<semaphore_mem>>)
    }
    %scan3A_36 = arith.constant 15 : i32
    %dma_wait3A = arith.constant 0 : i32
    %dma_wait3A_37 = arith.constant 30 : i32
    %dma_wait3A_38 = arith.constant 0 : i32
    %dma_wait3A_39 = tpu.memref_slice %arg9[%dma_wait3A_37, %dma_wait3A_38] : memref<32x32xi32, #tpu.memory_space<vmem>> -> memref<1x32xi32, #tpu.memory_space<vmem>>
    %dma_wait3A_40 = tpu.memref_squeeze %dma_wait3A_39 : memref<1x32xi32, #tpu.memory_space<vmem>> -> memref<32xi32, #tpu.memory_space<vmem>>
    %dma_wait3A_41 = arith.constant 0 : i32
    %dma_wait3A_42 = arith.constant 0 : i32
    %dma_wait3A_43 = tpu.memref_slice %arg8[%add3A, %dma_wait3A, %dma_wait3A_41, %dma_wait3A_42] : memref<32x2x33x1024xf32, #tpu.memory_space<hbm>> -> memref<1x1x33x1024xf32, #tpu.memory_space<hbm>>
    %dma_wait3A_44 = tpu.memref_squeeze %dma_wait3A_43 : memref<1x1x33x1024xf32, #tpu.memory_space<hbm>> -> memref<33x1024xf32, #tpu.memory_space<hbm>>
    %dma_wait3A_45 = arith.constant 0 : i32
    %dma_wait3A_46 = arith.constant 0 : i32
    %dma_wait3A_47 = tpu.memref_slice %dma_wait3A_44[%dma_wait3A_45, %dma_wait3A_46] : memref<33x1024xf32, #tpu.memory_space<hbm>> -> memref<33x1024xf32, #tpu.memory_space<hbm>>
    tpu.wait_indirect_dma semaphore(%arg13 : memref<!tpu.dma_semaphore, #tpu.memory_space<semaphore_mem>>) src(%dma_wait3A_47 : memref<33x1024xf32, #tpu.memory_space<hbm>>) dst(%arg11 : memref<32x1024xf32, #tpu.memory_space<vmem>>)
    %add3A_48 = arith.constant 960 : i32
    %add3A_49 = arith.addi %mul3A_2, %add3A_48 : i32
    "tpu.region"() ({
      %run_scoped3A_123 = tpu.sem_alloc : memref<!tpu.dma_semaphore, #tpu.memory_space<semaphore_mem>>
      %dma_start3A_124 = arith.constant 0 : i32
      %dma_start3A_125 = tpu.memref_slice %arg4[%add3A_49, %dma_start3A_124] : memref<32768x1024xf32, #tpu.memory_space<hbm>> -> memref<32x1024xf32, #tpu.memory_space<hbm>>
      %dma_start3A_126 = arith.constant 0 : i32
      %dma_start3A_127 = tpu.memref_slice %arg4[%add3A_49, %dma_start3A_126] : memref<32768x1024xf32, #tpu.memory_space<hbm>> -> memref<32x1024xf32, #tpu.memory_space<hbm>>
      tpu.enqueue_dma source(%arg11 : memref<32x1024xf32, #tpu.memory_space<vmem>>) target(%dma_start3A_127 : memref<32x1024xf32, #tpu.memory_space<hbm>>) target_semaphore(%run_scoped3A_123 : memref<!tpu.dma_semaphore, #tpu.memory_space<semaphore_mem>>)
      %dma_wait3A_128 = arith.constant 0 : i32
      %dma_wait3A_129 = tpu.memref_slice %arg4[%add3A_49, %dma_wait3A_128] : memref<32768x1024xf32, #tpu.memory_space<hbm>> -> memref<32x1024xf32, #tpu.memory_space<hbm>>
      %dma_wait3A_130 = arith.constant 0 : i32
      %dma_wait3A_131 = tpu.memref_slice %arg4[%add3A_49, %dma_wait3A_130] : memref<32768x1024xf32, #tpu.memory_space<hbm>> -> memref<32x1024xf32, #tpu.memory_space<hbm>>
      tpu.wait_dma2 semaphore(%run_scoped3A_123 : memref<!tpu.dma_semaphore, #tpu.memory_space<semaphore_mem>>) src(%arg11 : memref<32x1024xf32, #tpu.memory_space<vmem>>) dst(%dma_wait3A_131 : memref<32x1024xf32, #tpu.memory_space<hbm>>)
      tpu.yield
    }) : () -> ()
    "tpu.region"() ({
      %run_scoped3A_123 = tpu.sem_alloc : memref<!tpu.dma_semaphore, #tpu.memory_space<semaphore_mem>>
      %dma_start3A_124 = arith.constant 0 : i32
      %dma_start3A_125 = tpu.memref_slice %arg6[%add3A_49, %dma_start3A_124] : memref<32768x1024xf32, #tpu.memory_space<hbm>> -> memref<32x1024xf32, #tpu.memory_space<hbm>>
      %dma_start3A_126 = arith.constant 0 : i32
      %dma_start3A_127 = tpu.memref_slice %arg6[%add3A_49, %dma_start3A_126] : memref<32768x1024xf32, #tpu.memory_space<hbm>> -> memref<32x1024xf32, #tpu.memory_space<hbm>>
      tpu.enqueue_dma source(%arg11 : memref<32x1024xf32, #tpu.memory_space<vmem>>) target(%dma_start3A_127 : memref<32x1024xf32, #tpu.memory_space<hbm>>) target_semaphore(%run_scoped3A_123 : memref<!tpu.dma_semaphore, #tpu.memory_space<semaphore_mem>>)
      %dma_wait3A_128 = arith.constant 0 : i32
      %dma_wait3A_129 = tpu.memref_slice %arg6[%add3A_49, %dma_wait3A_128] : memref<32768x1024xf32, #tpu.memory_space<hbm>> -> memref<32x1024xf32, #tpu.memory_space<hbm>>
      %dma_wait3A_130 = arith.constant 0 : i32
      %dma_wait3A_131 = tpu.memref_slice %arg6[%add3A_49, %dma_wait3A_130] : memref<32768x1024xf32, #tpu.memory_space<hbm>> -> memref<32x1024xf32, #tpu.memory_space<hbm>>
      tpu.wait_dma2 semaphore(%run_scoped3A_123 : memref<!tpu.dma_semaphore, #tpu.memory_space<semaphore_mem>>) src(%arg11 : memref<32x1024xf32, #tpu.memory_space<vmem>>) dst(%dma_wait3A_131 : memref<32x1024xf32, #tpu.memory_space<hbm>>)
      tpu.yield
    }) : () -> ()
    %dma_wait3A_50 = arith.constant 0 : i32
    %dma_wait3A_51 = arith.constant 31 : i32
    %dma_wait3A_52 = arith.constant 0 : i32
    %dma_wait3A_53 = tpu.memref_slice %arg9[%dma_wait3A_51, %dma_wait3A_52] : memref<32x32xi32, #tpu.memory_space<vmem>> -> memref<1x32xi32, #tpu.memory_space<vmem>>
    %dma_wait3A_54 = tpu.memref_squeeze %dma_wait3A_53 : memref<1x32xi32, #tpu.memory_space<vmem>> -> memref<32xi32, #tpu.memory_space<vmem>>
    %dma_wait3A_55 = arith.constant 0 : i32
    %dma_wait3A_56 = arith.constant 0 : i32
    %dma_wait3A_57 = tpu.memref_slice %arg8[%add3A, %dma_wait3A_50, %dma_wait3A_55, %dma_wait3A_56] : memref<32x2x33x1024xf32, #tpu.memory_space<hbm>> -> memref<1x1x33x1024xf32, #tpu.memory_space<hbm>>
    %dma_wait3A_58 = tpu.memref_squeeze %dma_wait3A_57 : memref<1x1x33x1024xf32, #tpu.memory_space<hbm>> -> memref<33x1024xf32, #tpu.memory_space<hbm>>
    %dma_wait3A_59 = arith.constant 0 : i32
    %dma_wait3A_60 = arith.constant 0 : i32
    %dma_wait3A_61 = tpu.memref_slice %dma_wait3A_58[%dma_wait3A_59, %dma_wait3A_60] : memref<33x1024xf32, #tpu.memory_space<hbm>> -> memref<33x1024xf32, #tpu.memory_space<hbm>>
    tpu.wait_indirect_dma semaphore(%arg14 : memref<!tpu.dma_semaphore, #tpu.memory_space<semaphore_mem>>) src(%dma_wait3A_61 : memref<33x1024xf32, #tpu.memory_space<hbm>>) dst(%arg12 : memref<32x1024xf32, #tpu.memory_space<vmem>>)
    %add3A_62 = arith.constant 992 : i32
    %add3A_63 = arith.addi %mul3A_2, %add3A_62 : i32
    "tpu.region"() ({
      %run_scoped3A_123 = tpu.sem_alloc : memref<!tpu.dma_semaphore, #tpu.memory_space<semaphore_mem>>
      %dma_start3A_124 = arith.constant 0 : i32
      %dma_start3A_125 = tpu.memref_slice %arg4[%add3A_63, %dma_start3A_124] : memref<32768x1024xf32, #tpu.memory_space<hbm>> -> memref<32x1024xf32, #tpu.memory_space<hbm>>
      %dma_start3A_126 = arith.constant 0 : i32
      %dma_start3A_127 = tpu.memref_slice %arg4[%add3A_63, %dma_start3A_126] : memref<32768x1024xf32, #tpu.memory_space<hbm>> -> memref<32x1024xf32, #tpu.memory_space<hbm>>
      tpu.enqueue_dma source(%arg12 : memref<32x1024xf32, #tpu.memory_space<vmem>>) target(%dma_start3A_127 : memref<32x1024xf32, #tpu.memory_space<hbm>>) target_semaphore(%run_scoped3A_123 : memref<!tpu.dma_semaphore, #tpu.memory_space<semaphore_mem>>)
      %dma_wait3A_128 = arith.constant 0 : i32
      %dma_wait3A_129 = tpu.memref_slice %arg4[%add3A_63, %dma_wait3A_128] : memref<32768x1024xf32, #tpu.memory_space<hbm>> -> memref<32x1024xf32, #tpu.memory_space<hbm>>
      %dma_wait3A_130 = arith.constant 0 : i32
      %dma_wait3A_131 = tpu.memref_slice %arg4[%add3A_63, %dma_wait3A_130] : memref<32768x1024xf32, #tpu.memory_space<hbm>> -> memref<32x1024xf32, #tpu.memory_space<hbm>>
      tpu.wait_dma2 semaphore(%run_scoped3A_123 : memref<!tpu.dma_semaphore, #tpu.memory_space<semaphore_mem>>) src(%arg12 : memref<32x1024xf32, #tpu.memory_space<vmem>>) dst(%dma_wait3A_131 : memref<32x1024xf32, #tpu.memory_space<hbm>>)
      tpu.yield
    }) : () -> ()
    "tpu.region"() ({
      %run_scoped3A_123 = tpu.sem_alloc : memref<!tpu.dma_semaphore, #tpu.memory_space<semaphore_mem>>
      %dma_start3A_124 = arith.constant 0 : i32
      %dma_start3A_125 = tpu.memref_slice %arg6[%add3A_63, %dma_start3A_124] : memref<32768x1024xf32, #tpu.memory_space<hbm>> -> memref<32x1024xf32, #tpu.memory_space<hbm>>
      %dma_start3A_126 = arith.constant 0 : i32
      %dma_start3A_127 = tpu.memref_slice %arg6[%add3A_63, %dma_start3A_126] : memref<32768x1024xf32, #tpu.memory_space<hbm>> -> memref<32x1024xf32, #tpu.memory_space<hbm>>
      tpu.enqueue_dma source(%arg12 : memref<32x1024xf32, #tpu.memory_space<vmem>>) target(%dma_start3A_127 : memref<32x1024xf32, #tpu.memory_space<hbm>>) target_semaphore(%run_scoped3A_123 : memref<!tpu.dma_semaphore, #tpu.memory_space<semaphore_mem>>)
      %dma_wait3A_128 = arith.constant 0 : i32
      %dma_wait3A_129 = tpu.memref_slice %arg6[%add3A_63, %dma_wait3A_128] : memref<32768x1024xf32, #tpu.memory_space<hbm>> -> memref<32x1024xf32, #tpu.memory_space<hbm>>
      %dma_wait3A_130 = arith.constant 0 : i32
      %dma_wait3A_131 = tpu.memref_slice %arg6[%add3A_63, %dma_wait3A_130] : memref<32768x1024xf32, #tpu.memory_space<hbm>> -> memref<32x1024xf32, #tpu.memory_space<hbm>>
      tpu.wait_dma2 semaphore(%run_scoped3A_123 : memref<!tpu.dma_semaphore, #tpu.memory_space<semaphore_mem>>) src(%arg12 : memref<32x1024xf32, #tpu.memory_space<vmem>>) dst(%dma_wait3A_131 : memref<32x1024xf32, #tpu.memory_space<hbm>>)
      tpu.yield
    }) : () -> ()
    %dma_start3A_64 = arith.constant 1 : i32
    %dma_start3A_65 = arith.constant 0 : i32
    %dma_start3A_66 = arith.constant 0 : i32
    %dma_start3A_67 = tpu.memref_slice %arg9[%dma_start3A_65, %dma_start3A_66] : memref<32x32xi32, #tpu.memory_space<vmem>> -> memref<1x32xi32, #tpu.memory_space<vmem>>
    %dma_start3A_68 = tpu.memref_squeeze %dma_start3A_67 : memref<1x32xi32, #tpu.memory_space<vmem>> -> memref<32xi32, #tpu.memory_space<vmem>>
    %dma_start3A_69 = arith.constant 0 : i32
    %dma_start3A_70 = arith.constant 0 : i32
    %dma_start3A_71 = tpu.memref_slice %arg8[%add3A, %dma_start3A_64, %dma_start3A_69, %dma_start3A_70] : memref<32x2x33x1024xf32, #tpu.memory_space<hbm>> -> memref<1x1x33x1024xf32, #tpu.memory_space<hbm>>
    %dma_start3A_72 = tpu.memref_squeeze %dma_start3A_71 : memref<1x1x33x1024xf32, #tpu.memory_space<hbm>> -> memref<33x1024xf32, #tpu.memory_space<hbm>>
    %dma_start3A_73 = arith.constant 0 : i32
    %dma_start3A_74 = arith.constant 0 : i32
    %dma_start3A_75 = tpu.memref_slice %dma_start3A_72[%dma_start3A_73, %dma_start3A_74] : memref<33x1024xf32, #tpu.memory_space<hbm>> -> memref<33x1024xf32, #tpu.memory_space<hbm>>
    tpu.enqueue_indirect_dma source(%dma_start3A_75 : memref<33x1024xf32, #tpu.memory_space<hbm>>) target(%arg11 : memref<32x1024xf32, #tpu.memory_space<vmem>>) offsets(%dma_start3A_68 : memref<32xi32, #tpu.memory_space<vmem>>) semaphore(%arg13 : memref<!tpu.dma_semaphore, #tpu.memory_space<semaphore_mem>>)
    %dma_start3A_76 = arith.constant 1 : i32
    %dma_start3A_77 = arith.constant 1 : i32
    %dma_start3A_78 = arith.constant 0 : i32
    %dma_start3A_79 = tpu.memref_slice %arg9[%dma_start3A_77, %dma_start3A_78] : memref<32x32xi32, #tpu.memory_space<vmem>> -> memref<1x32xi32, #tpu.memory_space<vmem>>
    %dma_start3A_80 = tpu.memref_squeeze %dma_start3A_79 : memref<1x32xi32, #tpu.memory_space<vmem>> -> memref<32xi32, #tpu.memory_space<vmem>>
    %dma_start3A_81 = arith.constant 0 : i32
    %dma_start3A_82 = arith.constant 0 : i32
    %dma_start3A_83 = tpu.memref_slice %arg8[%add3A, %dma_start3A_76, %dma_start3A_81, %dma_start3A_82] : memref<32x2x33x1024xf32, #tpu.memory_space<hbm>> -> memref<1x1x33x1024xf32, #tpu.memory_space<hbm>>
    %dma_start3A_84 = tpu.memref_squeeze %dma_start3A_83 : memref<1x1x33x1024xf32, #tpu.memory_space<hbm>> -> memref<33x1024xf32, #tpu.memory_space<hbm>>
    %dma_start3A_85 = arith.constant 0 : i32
    %dma_start3A_86 = arith.constant 0 : i32
    %dma_start3A_87 = tpu.memref_slice %dma_start3A_84[%dma_start3A_85, %dma_start3A_86] : memref<33x1024xf32, #tpu.memory_space<hbm>> -> memref<33x1024xf32, #tpu.memory_space<hbm>>
    tpu.enqueue_indirect_dma source(%dma_start3A_87 : memref<33x1024xf32, #tpu.memory_space<hbm>>) target(%arg12 : memref<32x1024xf32, #tpu.memory_space<vmem>>) offsets(%dma_start3A_80 : memref<32xi32, #tpu.memory_space<vmem>>) semaphore(%arg14 : memref<!tpu.dma_semaphore, #tpu.memory_space<semaphore_mem>>)
    %scan3A_88 = arith.constant 0 : i32
    %scan3A_89 = arith.constant 1 : i32
    %scan3A_90 = arith.constant 0 : i32
    %scan3A_91 = arith.constant 15 : i32
    %scan3A_92 = arith.addi %scan3A_90, %scan3A_91 : i32
    %scan3A_93 = arith.constant 1 : i32
    scf.for %scan3A_123 = %scan3A_90 to %scan3A_92 step %scan3A_93  : i32 {
      %mul3A_124 = arith.constant 2 : i32
      %mul3A_125 = arith.muli %scan3A_123, %mul3A_124 : i32
      %add3A_126 = arith.constant 0 : i32
      %add3A_127 = arith.addi %mul3A_125, %add3A_126 : i32
      %dma_wait3A_128 = arith.constant 0 : i32
      %dma_wait3A_129 = tpu.memref_slice %arg9[%add3A_127, %dma_wait3A_128] : memref<32x32xi32, #tpu.memory_space<vmem>> -> memref<1x32xi32, #tpu.memory_space<vmem>>
      %dma_wait3A_130 = tpu.memref_squeeze %dma_wait3A_129 : memref<1x32xi32, #tpu.memory_space<vmem>> -> memref<32xi32, #tpu.memory_space<vmem>>
      %dma_wait3A_131 = arith.constant 0 : i32
      %dma_wait3A_132 = arith.constant 0 : i32
      %dma_wait3A_133 = tpu.memref_slice %arg8[%add3A, %scan3A_89, %dma_wait3A_131, %dma_wait3A_132] : memref<32x2x33x1024xf32, #tpu.memory_space<hbm>> -> memref<1x1x33x1024xf32, #tpu.memory_space<hbm>>
      %dma_wait3A_134 = tpu.memref_squeeze %dma_wait3A_133 : memref<1x1x33x1024xf32, #tpu.memory_space<hbm>> -> memref<33x1024xf32, #tpu.memory_space<hbm>>
      %dma_wait3A_135 = arith.constant 0 : i32
      %dma_wait3A_136 = arith.constant 0 : i32
      %dma_wait3A_137 = tpu.memref_slice %dma_wait3A_134[%dma_wait3A_135, %dma_wait3A_136] : memref<33x1024xf32, #tpu.memory_space<hbm>> -> memref<33x1024xf32, #tpu.memory_space<hbm>>
      tpu.wait_indirect_dma semaphore(%arg13 : memref<!tpu.dma_semaphore, #tpu.memory_space<semaphore_mem>>) src(%dma_wait3A_137 : memref<33x1024xf32, #tpu.memory_space<hbm>>) dst(%arg11 : memref<32x1024xf32, #tpu.memory_space<vmem>>)
      %mul3A_138 = arith.constant 32 : i32
      %mul3A_139 = arith.muli %add3A_127, %mul3A_138 : i32
      %add3A_140 = arith.addi %mul3A_2, %mul3A_139 : i32
      "tpu.region"() ({
        %run_scoped3A_182 = tpu.sem_alloc : memref<!tpu.dma_semaphore, #tpu.memory_space<semaphore_mem>>
        %dma_start3A_183 = arith.constant 0 : i32
        %dma_start3A_184 = tpu.memref_slice %arg5[%add3A_140, %dma_start3A_183] : memref<32768x1024xf32, #tpu.memory_space<hbm>> -> memref<32x1024xf32, #tpu.memory_space<hbm>>
        %dma_start3A_185 = arith.constant 0 : i32
        %dma_start3A_186 = tpu.memref_slice %arg5[%add3A_140, %dma_start3A_185] : memref<32768x1024xf32, #tpu.memory_space<hbm>> -> memref<32x1024xf32, #tpu.memory_space<hbm>>
        tpu.enqueue_dma source(%arg11 : memref<32x1024xf32, #tpu.memory_space<vmem>>) target(%dma_start3A_186 : memref<32x1024xf32, #tpu.memory_space<hbm>>) target_semaphore(%run_scoped3A_182 : memref<!tpu.dma_semaphore, #tpu.memory_space<semaphore_mem>>)
        %dma_wait3A_187 = arith.constant 0 : i32
        %dma_wait3A_188 = tpu.memref_slice %arg5[%add3A_140, %dma_wait3A_187] : memref<32768x1024xf32, #tpu.memory_space<hbm>> -> memref<32x1024xf32, #tpu.memory_space<hbm>>
        %dma_wait3A_189 = arith.constant 0 : i32
        %dma_wait3A_190 = tpu.memref_slice %arg5[%add3A_140, %dma_wait3A_189] : memref<32768x1024xf32, #tpu.memory_space<hbm>> -> memref<32x1024xf32, #tpu.memory_space<hbm>>
        tpu.wait_dma2 semaphore(%run_scoped3A_182 : memref<!tpu.dma_semaphore, #tpu.memory_space<semaphore_mem>>) src(%arg11 : memref<32x1024xf32, #tpu.memory_space<vmem>>) dst(%dma_wait3A_190 : memref<32x1024xf32, #tpu.memory_space<hbm>>)
        tpu.yield
      }) : () -> ()
      "tpu.region"() ({
        %run_scoped3A_182 = tpu.sem_alloc : memref<!tpu.dma_semaphore, #tpu.memory_space<semaphore_mem>>
        %dma_start3A_183 = arith.constant 0 : i32
        %dma_start3A_184 = tpu.memref_slice %arg7[%add3A_140, %dma_start3A_183] : memref<32768x1024xf32, #tpu.memory_space<hbm>> -> memref<32x1024xf32, #tpu.memory_space<hbm>>
        %dma_start3A_185 = arith.constant 0 : i32
        %dma_start3A_186 = tpu.memref_slice %arg7[%add3A_140, %dma_start3A_185] : memref<32768x1024xf32, #tpu.memory_space<hbm>> -> memref<32x1024xf32, #tpu.memory_space<hbm>>
        tpu.enqueue_dma source(%arg11 : memref<32x1024xf32, #tpu.memory_space<vmem>>) target(%dma_start3A_186 : memref<32x1024xf32, #tpu.memory_space<hbm>>) target_semaphore(%run_scoped3A_182 : memref<!tpu.dma_semaphore, #tpu.memory_space<semaphore_mem>>)
        %dma_wait3A_187 = arith.constant 0 : i32
        %dma_wait3A_188 = tpu.memref_slice %arg7[%add3A_140, %dma_wait3A_187] : memref<32768x1024xf32, #tpu.memory_space<hbm>> -> memref<32x1024xf32, #tpu.memory_space<hbm>>
        %dma_wait3A_189 = arith.constant 0 : i32
        %dma_wait3A_190 = tpu.memref_slice %arg7[%add3A_140, %dma_wait3A_189] : memref<32768x1024xf32, #tpu.memory_space<hbm>> -> memref<32x1024xf32, #tpu.memory_space<hbm>>
        tpu.wait_dma2 semaphore(%run_scoped3A_182 : memref<!tpu.dma_semaphore, #tpu.memory_space<semaphore_mem>>) src(%arg11 : memref<32x1024xf32, #tpu.memory_space<vmem>>) dst(%dma_wait3A_190 : memref<32x1024xf32, #tpu.memory_space<hbm>>)
        tpu.yield
      }) : () -> ()
      %add3A_141 = arith.constant 2 : i32
      %add3A_142 = arith.addi %add3A_127, %add3A_141 : i32
      %dma_start3A_143 = arith.constant 0 : i32
      %dma_start3A_144 = tpu.memref_slice %arg9[%add3A_142, %dma_start3A_143] : memref<32x32xi32, #tpu.memory_space<vmem>> -> memref<1x32xi32, #tpu.memory_space<vmem>>
      %dma_start3A_145 = tpu.memref_squeeze %dma_start3A_144 : memref<1x32xi32, #tpu.memory_space<vmem>> -> memref<32xi32, #tpu.memory_space<vmem>>
      %dma_start3A_146 = arith.constant 0 : i32
      %dma_start3A_147 = arith.constant 0 : i32
      %dma_start3A_148 = tpu.memref_slice %arg8[%add3A, %scan3A_89, %dma_start3A_146, %dma_start3A_147] : memref<32x2x33x1024xf32, #tpu.memory_space<hbm>> -> memref<1x1x33x1024xf32, #tpu.memory_space<hbm>>
      %dma_start3A_149 = tpu.memref_squeeze %dma_start3A_148 : memref<1x1x33x1024xf32, #tpu.memory_space<hbm>> -> memref<33x1024xf32, #tpu.memory_space<hbm>>
      %dma_start3A_150 = arith.constant 0 : i32
      %dma_start3A_151 = arith.constant 0 : i32
      %dma_start3A_152 = tpu.memref_slice %dma_start3A_149[%dma_start3A_150, %dma_start3A_151] : memref<33x1024xf32, #tpu.memory_space<hbm>> -> memref<33x1024xf32, #tpu.memory_space<hbm>>
      tpu.enqueue_indirect_dma source(%dma_start3A_152 : memref<33x1024xf32, #tpu.memory_space<hbm>>) target(%arg11 : memref<32x1024xf32, #tpu.memory_space<vmem>>) offsets(%dma_start3A_145 : memref<32xi32, #tpu.memory_space<vmem>>) semaphore(%arg13 : memref<!tpu.dma_semaphore, #tpu.memory_space<semaphore_mem>>)
      %mul3A_153 = arith.constant 2 : i32
      %mul3A_154 = arith.muli %scan3A_123, %mul3A_153 : i32
      %add3A_155 = arith.constant 1 : i32
      %add3A_156 = arith.addi %mul3A_154, %add3A_155 : i32
      %dma_wait3A_157 = arith.constant 0 : i32
      %dma_wait3A_158 = tpu.memref_slice %arg9[%add3A_156, %dma_wait3A_157] : memref<32x32xi32, #tpu.memory_space<vmem>> -> memref<1x32xi32, #tpu.memory_space<vmem>>
      %dma_wait3A_159 = tpu.memref_squeeze %dma_wait3A_158 : memref<1x32xi32, #tpu.memory_space<vmem>> -> memref<32xi32, #tpu.memory_space<vmem>>
      %dma_wait3A_160 = arith.constant 0 : i32
      %dma_wait3A_161 = arith.constant 0 : i32
      %dma_wait3A_162 = tpu.memref_slice %arg8[%add3A, %scan3A_89, %dma_wait3A_160, %dma_wait3A_161] : memref<32x2x33x1024xf32, #tpu.memory_space<hbm>> -> memref<1x1x33x1024xf32, #tpu.memory_space<hbm>>
      %dma_wait3A_163 = tpu.memref_squeeze %dma_wait3A_162 : memref<1x1x33x1024xf32, #tpu.memory_space<hbm>> -> memref<33x1024xf32, #tpu.memory_space<hbm>>
      %dma_wait3A_164 = arith.constant 0 : i32
      %dma_wait3A_165 = arith.constant 0 : i32
      %dma_wait3A_166 = tpu.memref_slice %dma_wait3A_163[%dma_wait3A_164, %dma_wait3A_165] : memref<33x1024xf32, #tpu.memory_space<hbm>> -> memref<33x1024xf32, #tpu.memory_space<hbm>>
      tpu.wait_indirect_dma semaphore(%arg14 : memref<!tpu.dma_semaphore, #tpu.memory_space<semaphore_mem>>) src(%dma_wait3A_166 : memref<33x1024xf32, #tpu.memory_space<hbm>>) dst(%arg12 : memref<32x1024xf32, #tpu.memory_space<vmem>>)
      %mul3A_167 = arith.constant 32 : i32
      %mul3A_168 = arith.muli %add3A_156, %mul3A_167 : i32
      %add3A_169 = arith.addi %mul3A_2, %mul3A_168 : i32
      "tpu.region"() ({
        %run_scoped3A_182 = tpu.sem_alloc : memref<!tpu.dma_semaphore, #tpu.memory_space<semaphore_mem>>
        %dma_start3A_183 = arith.constant 0 : i32
        %dma_start3A_184 = tpu.memref_slice %arg5[%add3A_169, %dma_start3A_183] : memref<32768x1024xf32, #tpu.memory_space<hbm>> -> memref<32x1024xf32, #tpu.memory_space<hbm>>
        %dma_start3A_185 = arith.constant 0 : i32
        %dma_start3A_186 = tpu.memref_slice %arg5[%add3A_169, %dma_start3A_185] : memref<32768x1024xf32, #tpu.memory_space<hbm>> -> memref<32x1024xf32, #tpu.memory_space<hbm>>
        tpu.enqueue_dma source(%arg12 : memref<32x1024xf32, #tpu.memory_space<vmem>>) target(%dma_start3A_186 : memref<32x1024xf32, #tpu.memory_space<hbm>>) target_semaphore(%run_scoped3A_182 : memref<!tpu.dma_semaphore, #tpu.memory_space<semaphore_mem>>)
        %dma_wait3A_187 = arith.constant 0 : i32
        %dma_wait3A_188 = tpu.memref_slice %arg5[%add3A_169, %dma_wait3A_187] : memref<32768x1024xf32, #tpu.memory_space<hbm>> -> memref<32x1024xf32, #tpu.memory_space<hbm>>
        %dma_wait3A_189 = arith.constant 0 : i32
        %dma_wait3A_190 = tpu.memref_slice %arg5[%add3A_169, %dma_wait3A_189] : memref<32768x1024xf32, #tpu.memory_space<hbm>> -> memref<32x1024xf32, #tpu.memory_space<hbm>>
        tpu.wait_dma2 semaphore(%run_scoped3A_182 : memref<!tpu.dma_semaphore, #tpu.memory_space<semaphore_mem>>) src(%arg12 : memref<32x1024xf32, #tpu.memory_space<vmem>>) dst(%dma_wait3A_190 : memref<32x1024xf32, #tpu.memory_space<hbm>>)
        tpu.yield
      }) : () -> ()
      "tpu.region"() ({
        %run_scoped3A_182 = tpu.sem_alloc : memref<!tpu.dma_semaphore, #tpu.memory_space<semaphore_mem>>
        %dma_start3A_183 = arith.constant 0 : i32
        %dma_start3A_184 = tpu.memref_slice %arg7[%add3A_169, %dma_start3A_183] : memref<32768x1024xf32, #tpu.memory_space<hbm>> -> memref<32x1024xf32, #tpu.memory_space<hbm>>
        %dma_start3A_185 = arith.constant 0 : i32
        %dma_start3A_186 = tpu.memref_slice %arg7[%add3A_169, %dma_start3A_185] : memref<32768x1024xf32, #tpu.memory_space<hbm>> -> memref<32x1024xf32, #tpu.memory_space<hbm>>
        tpu.enqueue_dma source(%arg12 : memref<32x1024xf32, #tpu.memory_space<vmem>>) target(%dma_start3A_186 : memref<32x1024xf32, #tpu.memory_space<hbm>>) target_semaphore(%run_scoped3A_182 : memref<!tpu.dma_semaphore, #tpu.memory_space<semaphore_mem>>)
        %dma_wait3A_187 = arith.constant 0 : i32
        %dma_wait3A_188 = tpu.memref_slice %arg7[%add3A_169, %dma_wait3A_187] : memref<32768x1024xf32, #tpu.memory_space<hbm>> -> memref<32x1024xf32, #tpu.memory_space<hbm>>
        %dma_wait3A_189 = arith.constant 0 : i32
        %dma_wait3A_190 = tpu.memref_slice %arg7[%add3A_169, %dma_wait3A_189] : memref<32768x1024xf32, #tpu.memory_space<hbm>> -> memref<32x1024xf32, #tpu.memory_space<hbm>>
        tpu.wait_dma2 semaphore(%run_scoped3A_182 : memref<!tpu.dma_semaphore, #tpu.memory_space<semaphore_mem>>) src(%arg12 : memref<32x1024xf32, #tpu.memory_space<vmem>>) dst(%dma_wait3A_190 : memref<32x1024xf32, #tpu.memory_space<hbm>>)
        tpu.yield
      }) : () -> ()
      %add3A_170 = arith.constant 2 : i32
      %add3A_171 = arith.addi %add3A_156, %add3A_170 : i32
      %dma_start3A_172 = arith.constant 0 : i32
      %dma_start3A_173 = tpu.memref_slice %arg9[%add3A_171, %dma_start3A_172] : memref<32x32xi32, #tpu.memory_space<vmem>> -> memref<1x32xi32, #tpu.memory_space<vmem>>
      %dma_start3A_174 = tpu.memref_squeeze %dma_start3A_173 : memref<1x32xi32, #tpu.memory_space<vmem>> -> memref<32xi32, #tpu.memory_space<vmem>>
      %dma_start3A_175 = arith.constant 0 : i32
      %dma_start3A_176 = arith.constant 0 : i32
      %dma_start3A_177 = tpu.memref_slice %arg8[%add3A, %scan3A_89, %dma_start3A_175, %dma_start3A_176] : memref<32x2x33x1024xf32, #tpu.memory_space<hbm>> -> memref<1x1x33x1024xf32, #tpu.memory_space<hbm>>
      %dma_start3A_178 = tpu.memref_squeeze %dma_start3A_177 : memref<1x1x33x1024xf32, #tpu.memory_space<hbm>> -> memref<33x1024xf32, #tpu.memory_space<hbm>>
      %dma_start3A_179 = arith.constant 0 : i32
      %dma_start3A_180 = arith.constant 0 : i32
      %dma_start3A_181 = tpu.memref_slice %dma_start3A_178[%dma_start3A_179, %dma_start3A_180] : memref<33x1024xf32, #tpu.memory_space<hbm>> -> memref<33x1024xf32, #tpu.memory_space<hbm>>
      tpu.enqueue_indirect_dma source(%dma_start3A_181 : memref<33x1024xf32, #tpu.memory_space<hbm>>) target(%arg12 : memref<32x1024xf32, #tpu.memory_space<vmem>>) offsets(%dma_start3A_174 : memref<32xi32, #tpu.memory_space<vmem>>) semaphore(%arg14 : memref<!tpu.dma_semaphore, #tpu.memory_space<semaphore_mem>>)
    }
    %scan3A_94 = arith.constant 15 : i32
    %dma_wait3A_95 = arith.constant 1 : i32
    %dma_wait3A_96 = arith.constant 30 : i32
    %dma_wait3A_97 = arith.constant 0 : i32
    %dma_wait3A_98 = tpu.memref_slice %arg9[%dma_wait3A_96, %dma_wait3A_97] : memref<32x32xi32, #tpu.memory_space<vmem>> -> memref<1x32xi32, #tpu.memory_space<vmem>>
    %dma_wait3A_99 = tpu.memref_squeeze %dma_wait3A_98 : memref<1x32xi32, #tpu.memory_space<vmem>> -> memref<32xi32, #tpu.memory_space<vmem>>
    %dma_wait3A_100 = arith.constant 0 : i32
    %dma_wait3A_101 = arith.constant 0 : i32
    %dma_wait3A_102 = tpu.memref_slice %arg8[%add3A, %dma_wait3A_95, %dma_wait3A_100, %dma_wait3A_101] : memref<32x2x33x1024xf32, #tpu.memory_space<hbm>> -> memref<1x1x33x1024xf32, #tpu.memory_space<hbm>>
    %dma_wait3A_103 = tpu.memref_squeeze %dma_wait3A_102 : memref<1x1x33x1024xf32, #tpu.memory_space<hbm>> -> memref<33x1024xf32, #tpu.memory_space<hbm>>
    %dma_wait3A_104 = arith.constant 0 : i32
    %dma_wait3A_105 = arith.constant 0 : i32
    %dma_wait3A_106 = tpu.memref_slice %dma_wait3A_103[%dma_wait3A_104, %dma_wait3A_105] : memref<33x1024xf32, #tpu.memory_space<hbm>> -> memref<33x1024xf32, #tpu.memory_space<hbm>>
    tpu.wait_indirect_dma semaphore(%arg13 : memref<!tpu.dma_semaphore, #tpu.memory_space<semaphore_mem>>) src(%dma_wait3A_106 : memref<33x1024xf32, #tpu.memory_space<hbm>>) dst(%arg11 : memref<32x1024xf32, #tpu.memory_space<vmem>>)
    %add3A_107 = arith.constant 960 : i32
    %add3A_108 = arith.addi %mul3A_2, %add3A_107 : i32
    "tpu.region"() ({
      %run_scoped3A_123 = tpu.sem_alloc : memref<!tpu.dma_semaphore, #tpu.memory_space<semaphore_mem>>
      %dma_start3A_124 = arith.constant 0 : i32
      %dma_start3A_125 = tpu.memref_slice %arg5[%add3A_108, %dma_start3A_124] : memref<32768x1024xf32, #tpu.memory_space<hbm>> -> memref<32x1024xf32, #tpu.memory_space<hbm>>
      %dma_start3A_126 = arith.constant 0 : i32
      %dma_start3A_127 = tpu.memref_slice %arg5[%add3A_108, %dma_start3A_126] : memref<32768x1024xf32, #tpu.memory_space<hbm>> -> memref<32x1024xf32, #tpu.memory_space<hbm>>
      tpu.enqueue_dma source(%arg11 : memref<32x1024xf32, #tpu.memory_space<vmem>>) target(%dma_start3A_127 : memref<32x1024xf32, #tpu.memory_space<hbm>>) target_semaphore(%run_scoped3A_123 : memref<!tpu.dma_semaphore, #tpu.memory_space<semaphore_mem>>)
      %dma_wait3A_128 = arith.constant 0 : i32
      %dma_wait3A_129 = tpu.memref_slice %arg5[%add3A_108, %dma_wait3A_128] : memref<32768x1024xf32, #tpu.memory_space<hbm>> -> memref<32x1024xf32, #tpu.memory_space<hbm>>
      %dma_wait3A_130 = arith.constant 0 : i32
      %dma_wait3A_131 = tpu.memref_slice %arg5[%add3A_108, %dma_wait3A_130] : memref<32768x1024xf32, #tpu.memory_space<hbm>> -> memref<32x1024xf32, #tpu.memory_space<hbm>>
      tpu.wait_dma2 semaphore(%run_scoped3A_123 : memref<!tpu.dma_semaphore, #tpu.memory_space<semaphore_mem>>) src(%arg11 : memref<32x1024xf32, #tpu.memory_space<vmem>>) dst(%dma_wait3A_131 : memref<32x1024xf32, #tpu.memory_space<hbm>>)
      tpu.yield
    }) : () -> ()
    "tpu.region"() ({
      %run_scoped3A_123 = tpu.sem_alloc : memref<!tpu.dma_semaphore, #tpu.memory_space<semaphore_mem>>
      %dma_start3A_124 = arith.constant 0 : i32
      %dma_start3A_125 = tpu.memref_slice %arg7[%add3A_108, %dma_start3A_124] : memref<32768x1024xf32, #tpu.memory_space<hbm>> -> memref<32x1024xf32, #tpu.memory_space<hbm>>
      %dma_start3A_126 = arith.constant 0 : i32
      %dma_start3A_127 = tpu.memref_slice %arg7[%add3A_108, %dma_start3A_126] : memref<32768x1024xf32, #tpu.memory_space<hbm>> -> memref<32x1024xf32, #tpu.memory_space<hbm>>
      tpu.enqueue_dma source(%arg11 : memref<32x1024xf32, #tpu.memory_space<vmem>>) target(%dma_start3A_127 : memref<32x1024xf32, #tpu.memory_space<hbm>>) target_semaphore(%run_scoped3A_123 : memref<!tpu.dma_semaphore, #tpu.memory_space<semaphore_mem>>)
      %dma_wait3A_128 = arith.constant 0 : i32
      %dma_wait3A_129 = tpu.memref_slice %arg7[%add3A_108, %dma_wait3A_128] : memref<32768x1024xf32, #tpu.memory_space<hbm>> -> memref<32x1024xf32, #tpu.memory_space<hbm>>
      %dma_wait3A_130 = arith.constant 0 : i32
      %dma_wait3A_131 = tpu.memref_slice %arg7[%add3A_108, %dma_wait3A_130] : memref<32768x1024xf32, #tpu.memory_space<hbm>> -> memref<32x1024xf32, #tpu.memory_space<hbm>>
      tpu.wait_dma2 semaphore(%run_scoped3A_123 : memref<!tpu.dma_semaphore, #tpu.memory_space<semaphore_mem>>) src(%arg11 : memref<32x1024xf32, #tpu.memory_space<vmem>>) dst(%dma_wait3A_131 : memref<32x1024xf32, #tpu.memory_space<hbm>>)
      tpu.yield
    }) : () -> ()
    %dma_wait3A_109 = arith.constant 1 : i32
    %dma_wait3A_110 = arith.constant 31 : i32
    %dma_wait3A_111 = arith.constant 0 : i32
    %dma_wait3A_112 = tpu.memref_slice %arg9[%dma_wait3A_110, %dma_wait3A_111] : memref<32x32xi32, #tpu.memory_space<vmem>> -> memref<1x32xi32, #tpu.memory_space<vmem>>
    %dma_wait3A_113 = tpu.memref_squeeze %dma_wait3A_112 : memref<1x32xi32, #tpu.memory_space<vmem>> -> memref<32xi32, #tpu.memory_space<vmem>>
    %dma_wait3A_114 = arith.constant 0 : i32
    %dma_wait3A_115 = arith.constant 0 : i32
    %dma_wait3A_116 = tpu.memref_slice %arg8[%add3A, %dma_wait3A_109, %dma_wait3A_114, %dma_wait3A_115] : memref<32x2x33x1024xf32, #tpu.memory_space<hbm>> -> memref<1x1x33x1024xf32, #tpu.memory_space<hbm>>
    %dma_wait3A_117 = tpu.memref_squeeze %dma_wait3A_116 : memref<1x1x33x1024xf32, #tpu.memory_space<hbm>> -> memref<33x1024xf32, #tpu.memory_space<hbm>>
    %dma_wait3A_118 = arith.constant 0 : i32
    %dma_wait3A_119 = arith.constant 0 : i32
    %dma_wait3A_120 = tpu.memref_slice %dma_wait3A_117[%dma_wait3A_118, %dma_wait3A_119] : memref<33x1024xf32, #tpu.memory_space<hbm>> -> memref<33x1024xf32, #tpu.memory_space<hbm>>
    tpu.wait_indirect_dma semaphore(%arg14 : memref<!tpu.dma_semaphore, #tpu.memory_space<semaphore_mem>>) src(%dma_wait3A_120 : memref<33x1024xf32, #tpu.memory_space<hbm>>) dst(%arg12 : memref<32x1024xf32, #tpu.memory_space<vmem>>)
    %add3A_121 = arith.constant 992 : i32
    %add3A_122 = arith.addi %mul3A_2, %add3A_121 : i32
    "tpu.region"() ({
      %run_scoped3A_123 = tpu.sem_alloc : memref<!tpu.dma_semaphore, #tpu.memory_space<semaphore_mem>>
      %dma_start3A_124 = arith.constant 0 : i32
      %dma_start3A_125 = tpu.memref_slice %arg5[%add3A_122, %dma_start3A_124] : memref<32768x1024xf32, #tpu.memory_space<hbm>> -> memref<32x1024xf32, #tpu.memory_space<hbm>>
      %dma_start3A_126 = arith.constant 0 : i32
      %dma_start3A_127 = tpu.memref_slice %arg5[%add3A_122, %dma_start3A_126] : memref<32768x1024xf32, #tpu.memory_space<hbm>> -> memref<32x1024xf32, #tpu.memory_space<hbm>>
      tpu.enqueue_dma source(%arg12 : memref<32x1024xf32, #tpu.memory_space<vmem>>) target(%dma_start3A_127 : memref<32x1024xf32, #tpu.memory_space<hbm>>) target_semaphore(%run_scoped3A_123 : memref<!tpu.dma_semaphore, #tpu.memory_space<semaphore_mem>>)
      %dma_wait3A_128 = arith.constant 0 : i32
      %dma_wait3A_129 = tpu.memref_slice %arg5[%add3A_122, %dma_wait3A_128] : memref<32768x1024xf32, #tpu.memory_space<hbm>> -> memref<32x1024xf32, #tpu.memory_space<hbm>>
      %dma_wait3A_130 = arith.constant 0 : i32
      %dma_wait3A_131 = tpu.memref_slice %arg5[%add3A_122, %dma_wait3A_130] : memref<32768x1024xf32, #tpu.memory_space<hbm>> -> memref<32x1024xf32, #tpu.memory_space<hbm>>
      tpu.wait_dma2 semaphore(%run_scoped3A_123 : memref<!tpu.dma_semaphore, #tpu.memory_space<semaphore_mem>>) src(%arg12 : memref<32x1024xf32, #tpu.memory_space<vmem>>) dst(%dma_wait3A_131 : memref<32x1024xf32, #tpu.memory_space<hbm>>)
      tpu.yield
    }) : () -> ()
    "tpu.region"() ({
      %run_scoped3A_123 = tpu.sem_alloc : memref<!tpu.dma_semaphore, #tpu.memory_space<semaphore_mem>>
      %dma_start3A_124 = arith.constant 0 : i32
      %dma_start3A_125 = tpu.memref_slice %arg7[%add3A_122, %dma_start3A_124] : memref<32768x1024xf32, #tpu.memory_space<hbm>> -> memref<32x1024xf32, #tpu.memory_space<hbm>>
      %dma_start3A_126 = arith.constant 0 : i32
      %dma_start3A_127 = tpu.memref_slice %arg7[%add3A_122, %dma_start3A_126] : memref<32768x1024xf32, #tpu.memory_space<hbm>> -> memref<32x1024xf32, #tpu.memory_space<hbm>>
      tpu.enqueue_dma source(%arg12 : memref<32x1024xf32, #tpu.memory_space<vmem>>) target(%dma_start3A_127 : memref<32x1024xf32, #tpu.memory_space<hbm>>) target_semaphore(%run_scoped3A_123 : memref<!tpu.dma_semaphore, #tpu.memory_space<semaphore_mem>>)
      %dma_wait3A_128 = arith.constant 0 : i32
      %dma_wait3A_129 = tpu.memref_slice %arg7[%add3A_122, %dma_wait3A_128] : memref<32768x1024xf32, #tpu.memory_space<hbm>> -> memref<32x1024xf32, #tpu.memory_space<hbm>>
      %dma_wait3A_130 = arith.constant 0 : i32
      %dma_wait3A_131 = tpu.memref_slice %arg7[%add3A_122, %dma_wait3A_130] : memref<32768x1024xf32, #tpu.memory_space<hbm>> -> memref<32x1024xf32, #tpu.memory_space<hbm>>
      tpu.wait_dma2 semaphore(%run_scoped3A_123 : memref<!tpu.dma_semaphore, #tpu.memory_space<semaphore_mem>>) src(%arg12 : memref<32x1024xf32, #tpu.memory_space<vmem>>) dst(%dma_wait3A_131 : memref<32x1024xf32, #tpu.memory_space<hbm>>)
      tpu.yield
    }) : () -> ()
    return
  }
}

</mosaic_0001>

<sc_bundles>
// kernel: _gather_sc.3.cloned.1.call-start
scs
__scs_entry_jumppad:
0x0: {  	(pc) =	sbr.rel $0x88, $3  }
0x1: {  	(tag) =	ssettag $0x0;
	lr =	simm.s32 $0x1  }
0x2: {  	[smem:$0x3F9F] =	sst lr;
	_ =	strace $0xD0000000  }
0x3: {  	_ = 	snop  }
0x4: {  	_ = 	snop  }
0x5: {  	_ = 	snop  }
0x6: {  	_ = 	snop  }
0x7: {  	_ = 	snop  }
__scs_overlays_trampoline_lowered:
0x8: {  	[smem:$0x3FAE] =	sst s0  }
0x9: {  	[smem:$0x3FAF] =	sst s1  }
0xa: {  	[smem:$0x3FB0] =	sst s2  }
0xb: {  	[smem:$0x3FB1] =	sst s3  }
0xc: {  	[smem:$0x3FB2] =	sst s4  }
0xd: {  	[smem:$0x3FB3] =	sst s5  }
0xe: {  	[smem:$0x3FB4] =	sst s6  }
0xf: {  	[smem:$0x3FB5] =	sst s7  }
0x10: {  	[smem:$0x3FB6] =	sst s8  }
0x11: {  	[smem:$0x3FB7] =	sst s9;
	s0 =	simm.s32 @!p0 $0x0  }
0x12: {  	s1 =	sld [smem:$0x3F9D];
	s0 =	simm.s32 @p0 $0x1  }
0x13: {  	[smem:$0x3FB8] =	sst s0;
	s0 =	simm.s32 @!p1 $0x0  }
0x14: {  	s2 =	sld [smem:$0x3F9C];
	s0 =	simm.s32 @p1 $0x1  }
0x15: {  	[smem:$0x3FB9] =	sst s0;
	s0 =	simm.s32 @!p2 $0x0  }
0x16: {  	s3 =	sld [smem:$0x3FDB];
	s0 =	simm.s32 @p2 $0x1  }
0x17: {  	s4 =	simm.s32 $0x1BF5;
	[smem:$0x3FBB] =	sst s0  }
0x18: {  	s0 =	sld [smem:$0x3F9E];
	_ =	swait.ge [sflag:s4], $0x0  }
0x19: {  	s7 =	sld [smem:$0x3F9F]  }
0x1a: {  	s8 =	sadd.s32 $0xFFFFE003, lr  }
0x1b: {  	s9 =	sadd.s32 $0xFFFFFEF7, lr;
	s5 =	simm.s32 $0xFFFFFFFF;
	p2 =	slt.u32 s8, $0xFFFFF086  }
0x1c: {  	p1 =	slt.u32 s9, $0xF7A;
	s5 =	simm.s32 @!p2 $0x0  }
0x1d: {  	s5 =	simm.s32 @p1 $0x1;
	p0 =	seq.s32 s7, s2  }
0x1e: {  	s7 =	smul.u32 @!p0 $0xF7A, s2;
	p2 =	seq.s32 @!p0 s5, $0x0  }
0x1f: {  	s9 =	smul.u32 $0xF7A, s1;
	s8 =	simm.s32 @!p0 $0x1BF5;
	p2 =	por !p2, p0  }
0x20: {  	[sflag:s8] =	ssyncset.s32 @!p0 $0xFFFFF086;
	s6 =	sadd.s32 @!p0 s3, s7;
	s7 =	simm.s32 @!p0 $0x108  }
0x21: {  	s3 =	sadd.s32 s3, s9;
	s6 =	sadd.s32 @!p0 $0x88, s6;
	s7 =	simm.s32 @p2 $0x1082  }
0x22: {  	[simem:s7], [sflag:s8] =	dma.local @!p0 [hbm:s6], $0xF7A  }
0x23: {  	s9 =	sor.u32 $0xD0000000, s2;
	s6 =	simm.s32 $0x108;
	_ =	swait.ge @!p0 [sflag:s8], $0x0  }
0x24: {  	s3 =	sadd.s32 $0x88, s3;
	s6 =	simm.s32 @!p1 $0x1082;
	[sflag:s4] =	ssyncset.s32 $0xFFFFF086  }
0x25: {  	[simem:s6], [sflag:s4] =	dma.local [hbm:s3], $0xF7A  }
0x26: {  	[smem:$0x3F9F] =	sst s1;
	(tag) =	ssettag s2;
	_ =	strace s9  }
0x27: {  	s1 =	sld [smem:$0x3FAF]  }
0x28: {  	s2 =	sld [smem:$0x3FB0]  }
0x29: {  	s4 =	sld [smem:$0x3FB2]  }
0x2a: {  	p0 =	seq.s32 s5, $0x0;
	s5 =	sld [smem:$0x3FB3]  }
0x2b: {  	s6 =	sld [smem:$0x3FB4]  }
0x2c: {  	s7 =	sld [smem:$0x3FB5]  }
0x2d: {  	s3 =	simm.s32 $0x108;
	s8 =	sld [smem:$0x3FB6]  }
0x2e: {  	s3 =	simm.s32 @!p0 $0x1082;
	s9 =	sld [smem:$0x3FB7]  }
0x2f: {  	lr =	sadd.s32 s0, s3;
	s0 =	sld [smem:$0x3FAE]  }
0x30: {  	s3 =	sld [smem:$0x3FB1]  }
0x31: {  	[smem:$0x3FBA] =	sst s10  }
0x32: {  	s10 =	sld [smem:$0x3FB8];
	_ =	sdelay $0x3  }
0x33: {  	p0 =	seq.s32 s10, $0x1;
	s10 =	sld [smem:$0x3FBA];
	_ =	sdelay $0x3  }
0x34: {  	[smem:$0x3FBA] =	sst s10  }
0x35: {  	s10 =	sld [smem:$0x3FB9];
	_ =	sdelay $0x3  }
0x36: {  	p1 =	seq.s32 s10, $0x1;
	s10 =	sld [smem:$0x3FBA];
	_ =	sdelay $0x3  }
0x37: {  	[smem:$0x3FBA] =	sst s10  }
0x38: {  	s10 =	sld [smem:$0x3FBB]  }
0x39: {  	_ = 	snop;
	(pc) =	sbr.ind lr, $3  }
0x3a: {  	_ = 	snop  }
0x3b: {  	_ = 	snop  }
0x3c: {  	p2 =	seq.s32 s10, $0x1;
	s10 =	sld [smem:$0x3FBA]  }
0x3d: {  	_ =	shalt  }
0x3e: {  	_ =	shalt  }
0x3f: {  	_ =	shalt  }
0x40: {  	_ =	shalt  }
0x41: {  	_ =	shalt  }
0x42: {  	_ =	shalt  }
0x43: {  	_ =	shalt  }
0x44: {  	_ =	shalt  }
0x45: {  	_ =	shalt  }
0x46: {  	_ =	shalt  }
0x47: {  	_ =	shalt  }
0x48: {  	_ =	shalt  }
0x49: {  	_ =	shalt  }
0x4a: {  	_ =	shalt  }
0x4b: {  	_ =	shalt  }
0x4c: {  	_ =	shalt  }
0x4d: {  	_ =	shalt  }
0x4e: {  	_ =	shalt  }
0x4f: {  	_ =	shalt  }
0x50: {  	_ =	shalt  }
0x51: {  	_ =	shalt  }
0x52: {  	_ =	shalt  }
0x53: {  	_ =	shalt  }
0x54: {  	_ =	shalt  }
0x55: {  	_ =	shalt  }
0x56: {  	_ =	shalt  }
0x57: {  	_ =	shalt  }
0x58: {  	_ =	shalt  }
0x59: {  	_ =	shalt  }
0x5a: {  	_ =	shalt  }
0x5b: {  	_ =	shalt  }
0x5c: {  	_ =	shalt  }
0x5d: {  	_ =	shalt  }
0x5e: {  	_ =	shalt  }
0x5f: {  	_ =	shalt  }
0x60: {  	_ =	shalt  }
0x61: {  	_ =	shalt  }
0x62: {  	_ =	shalt  }
0x63: {  	_ =	shalt  }
0x64: {  	_ =	shalt  }
0x65: {  	_ =	shalt  }
0x66: {  	_ =	shalt  }
0x67: {  	_ =	shalt  }
0x68: {  	_ =	shalt  }
0x69: {  	_ =	shalt  }
0x6a: {  	_ =	shalt  }
0x6b: {  	_ =	shalt  }
0x6c: {  	_ =	shalt  }
0x6d: {  	_ =	shalt  }
0x6e: {  	_ =	shalt  }
0x6f: {  	_ =	shalt  }
0x70: {  	_ =	shalt  }
0x71: {  	_ =	shalt  }
0x72: {  	_ =	shalt  }
0x73: {  	_ =	shalt  }
0x74: {  	_ =	shalt  }
0x75: {  	_ =	shalt  }
0x76: {  	_ =	shalt  }
0x77: {  	_ =	shalt  }
0x78: {  	_ =	shalt  }
0x79: {  	_ =	shalt  }
0x7a: {  	_ =	shalt  }
0x7b: {  	_ =	shalt  }
0x7c: {  	_ =	shalt  }
0x7d: {  	_ =	shalt  }
0x7e: {  	_ =	shalt  }
0x7f: {  	_ =	shalt  }
0x80: {  	_ =	shalt  }
0x81: {  	_ =	shalt  }
0x82: {  	_ =	shalt  }
0x83: {  	_ =	shalt  }
0x84: {  	_ =	shalt  }
0x85: {  	_ =	shalt  }
0x86: {  	_ =	shalt  }
0x87: {  	_ =	shalt  }
.Lfunc_end0:
.L_simem_size_0:
called_computation_lowered:
.L_overlay_start_0:
0x88: {  	s2 =	sld [smem:$0x3FD9]  }
0x89: {  	s3 =	sld [smem:$0x3FFE];
	_ =	sdelay $0x1  }
0x8a: {  	s1 =	srdreg.scid  }
0x8b: {  	s0 =	sand.u32 $0x1, s1  }
0x8c: {  	s14 =	sshll.u32 s0, $0xA;
	s2 =	sadd.s32 s3, s2  }
0x8d: {  	s2 =	sadd.s32 s2, s14  }
0x8e: {  	[smem:$0x3FC6] =	sst s2  }
0x8f: {  	_ = 	snop  }
0x90: {  	s2 =	sld [smem:$0x3FD0];
	_ =	sdelay $0x2  }
0x91: {  	s15 =	simm.s32 $0xA;
	s4 =	simm.s32 $0x10  }
0x92: {  	[smem:s4], [sflag:s15] =	dma.local [hbm:s2], $0x1  }
0x93: {  	_ =	swait.eq [sflag:s15], $0x1  }
0x94: {  	s16 =	sld [smem:$0x10]  }
0x95: {  	s17 =	sld [smem:$0x11];
	[sflag:s15] =	ssyncset.done $0x0  }
0x96: {  	s5 =	sld [smem:$0x12];
	[sflag:s15] =	ssyncadd.s32 $0xFFFFFFFF  }
0x97: {  	s18 =	sld [smem:$0x13];
	(tm) =	ssettm $0x1  }
0x98: {  	s6 =	sld [smem:$0x3FFB];
	_ =	sdelay $0x3  }
0x99: {  	_ =	strace s6  }
0x9a: {  	s6 =	sld [smem:$0x3FFC];
	_ =	sdelay $0x3  }
0x9b: {  	_ =	strace s6  }
0x9c: {  	s6 =	sld [smem:$0x3FFD];
	_ =	sdelay $0x3  }
0x9d: {  	_ =	strace s6  }
0x9e: {  	_ =	strace $0x8FFFFFFF  }
0x9f: {  	s19 =	sld [smem:$0x3FDB];
	_ =	sdelay $0x1  }
0xa0: {  	s7 =	simm.s32 $_scs_section_size  }
0xa1: {  	s8 =	simm.s32 $_size__tile_overlayer_lowered;
	s9 =	simm.s32 $_tile_overlayer_lowered  }
0xa2: {  	s22 =	simm.s32 $0x1BFF;
	s21 =	sshll.u32 s9, $0x1;
	s6 =	sadd.s32 s7, s19  }
0xa3: {  	s10 =	simm.s32 $0x0;
	s20 =	sshll.u32 s8, $0x1;
	s8 =	sadd.s32 s21, s6  }
0xa4: {  	[timem:s10], [sflag:s22] =	dma.local [hbm:s8], s20  }
0xa5: {  	_ =	swait.ge [sflag:s22], s20  }
0xa6: {  	s7 =	ssub.s32 $0x0, s20;
	[sflag:s22] =	ssyncset.done $0x0  }
0xa7: {  	[sflag:s22] =	ssyncadd.s32 s7;
	_ =	sdelay $0x1  }
0xa8: {  	s23 =	simm.s32 $0x1B8B  }
0xa9: {  	_ =	swait.ge [sflag:s23], $0x1  }
0xaa: {  	[sflag:s23] =	ssyncset.done $0x0  }
0xab: {  	s25 =	simm.s32 $0x1B8E;
	s24 =	sld [smem:$0x3FFE];
	[sflag:s23] =	ssyncadd.s32 $0xFFFFFFFF  }
0xac: {  	s26 =	simm.s32 $execute0_lowered;
	[smem:$0x3FD2] =	sst s25  }
0xad: {  	s8 =	sshll.u32 s26, $0x1;
	_ =	strace $0x80000046;
	[dreg:$0x1] =	wrdreg $0xFFFFFFFF  }
0xae: {  	s28 =	simm.s32 $_size_execute0_lowered;
	s6 =	sadd.s32 s6, s8;
	[dreg:$0x0] =	wrdreg $0x0  }
0xaf: {  	s8 =	sshll.u32 s28, $0x1;
	[dreg:$0x2] =	wrdreg s6  }
0xb0: {  	[dreg:$0x3] =	wrdreg s8  }
0xb1: {  	[dreg:$0x4] =	wrdreg $0xC0  }
0xb2: {  	_ =	task [dreg:s10], $0x5FFFF  }
0xb3: {  	[dreg:$0x1] =	wrdreg $0xFFFFFFFF  }
0xb4: {  	[dreg:$0x0] =	wrdreg $0x60  }
0xb5: {  	[dreg:$0x2] =	wrdreg s24  }
0xb6: {  	[dreg:$0x3] =	wrdreg s16  }
0xb7: {  	[dreg:$0x4] =	wrdreg s17  }
0xb8: {  	[dreg:$0x5] =	wrdreg s5  }
0xb9: {  	[dreg:$0x6] =	wrdreg s18  }
0xba: {  	[dreg:$0x7] =	wrdreg $0x9  }
0xbb: {  	_ =	task.clear_ibuf [dreg:s10], $0x8FFFF;
	_ =	strace $0x90000046  }
0xbc: {  	s29 =	simm.s32 $0x9;
	_ =	strace $0x80000048  }
0xbd: {  	_ =	swait.ge [sflag:s29], $0x1  }
0xbe: {  	[sflag:s29] =	ssyncadd.s32 $0xFFFFFFFF  }
0xbf: {  	_ =	strace $0x90000048  }
0xc0: {  	_ =	sfence  }
0xc1: {  	s30 =	sld [smem:$0x0];
	_ =	sdelay $0x2  }
0xc2: {  	s31 =	sshll.u32 s1, $0xD;
	s1 =	sshrl.u32 s1, $0x2  }
0xc3: {  	s3 =	sand.u32 $0x4000, s31;
	s1 =	sadd.s32 s1, s30  }
0xc4: {  	s0 =	sor.u32 s3, s0;
	s1 =	sshll.u32 s1, $0x11  }
0xc5: {  	s0 =	sor.u32 s1, s0  }
0xc6: {  	s0 =	sadd.s32 $0x8F2B, s0  }
0xc7: {  	[sflag:s0] =	ssyncadd.remote.s32 $0x1  }
0xc8: {  	_ =	sfence.sel $0xFFFF  }
0xc9: {  	[dreg:$0x0] =	wrdreg $0xFFFFFFFF;
	(pc) =	sbr.abs _section_cstart, $3  }
0xca: {  	[dreg:$0x1] =	wrdreg $0xFFFFFFFF  }
0xcb: {  	_ =	task.clear_ibuf [dreg:s10], $0x2FFFF;
	_ =	strace $0x9FFFFFFF  }
0xcc: {  	(tm) =	ssettm $0x7FFFFFFF  }
0xcd: {  	_ =	shalt  }
tec
execute0_lowered:
.L_overlay_start_1:
0x0: {  	(tag) =	ssettag $0x1  }
0x1: {  	s0 =	rddreg [dreg:$0x0]  }
0x2: {  	s1 =	rddreg [dreg:$0x1]  }
0x3: {  	s3 =	rddreg [dreg:$0x2]  }
0x4: {  	s5 =	rddreg [dreg:$0x3];
	s2 =	srdreg.scid  }
0x5: {  	s13 =	stileid.u32;
	s7 =	rddreg [dreg:$0x4];
	s8 =	sand.u32 $0x1, s2  }
0x6: {  	s4 =	sshll.u32 s13, $0x1;
	s2 =	simm.s32 $0x0;
	s11 =	sadd.s32 $0x800, s0  }
0x7: {  	s21 =	sshll.u32 s13, $0x12;
	s13 =	simm.s32 $0xF000;
	s4 =	sor.u32 s8, s4  }
0x8: {  	[smem:$0x7FF] =	sst s2;
	s30 =	ssub.s32 $0x2, s8;
	s22 =	sadd.s32 s21, s1  }
0x9: {  	s23 =	sshll.u32 s8, $0x11;
	s28 =	sadd.s32 s21, s7;
	s8 =	simm.s32 $0xC800  }
0xa: {  	s6 =	sshll.u32 s4, $0x9;
	s9 =	smul.u32 $0x14000, s4;
	_ =	strace $0x80000047  }
0xb: {  	[dreg:$0xa] =	wrdreg s11;
	s31 =	sshrl.u32 s30, $0x1;
	s12 =	sshll.u32 s4, $0x11  }
0xc: {  	s10 =	sadd.s32 s6, s0;
	s11 =	ssub.s32 s30, s31;
	s14 =	sor.u32 $0x1E000, s12  }
0xd: {  	s15 =	sor.u32 $0x1F000, s12;
	s30 =	sadd.s32 s23, s28;
	s12 =	simm.s32 $0xE800  }
0xe: {  	s9 =	sshrl.u32 s9, $0x3;
	s10 =	sadd.s32 $0x3000, s10;
	[dreg:$0x9] =	wrdreg s30  }
0xf: {  	s16 =	sadd.s32 s1, s14;
	s17 =	sadd.s32 s5, s14;
	[dreg:$0xc] =	wrdreg s10  }
0x10: {  	s18 =	sadd.s32 s1, s15;
	s19 =	sadd.s32 s5, s15;
	[dreg:$0xd] =	wrdreg s16  }
0x11: {  	s20 =	sadd.s32 s3, s14;
	s24 =	sadd.s32 s3, s15;
	[dreg:$0xe] =	wrdreg s17  }
0x12: {  	s5 =	sadd.s32 s21, s5;
	s3 =	sadd.s32 s21, s3;
	[dreg:$0xf] =	wrdreg s18  }
0x13: {  	s29 =	sadd.s32 s7, s15;
	s31 =	smax.u32 s11, $0x1;
	[dreg:$0x10] =	wrdreg s19  }
0x14: {  	s11 =	simm.s32 $0xE000;
	s15 =	simm.s32 $0x10000;
	[dreg:$0x11] =	wrdreg s20  }
0x15: {  	s21 =	simm.s32 $0x12000;
	s1 =	simm.s32 $0x0;
	[dreg:$0x13] =	wrdreg s24  }
0x16: {  	s9 =	sadd.s32 s9, s0;
	s0 =	sadd.s32 $0x1C00, s0;
	[dreg:$0x14] =	wrdreg s29  }
0x17: {  	s25 =	sadd.s32 s23, s5;
	s26 =	sadd.s32 s23, s3;
	[dreg:$0x15] =	wrdreg s31  }
0x18: {  	s18 =	simm.s32 $0x3;
	s19 =	simm.s32 $0xB000;
	s3 =	simm.s32 $0xB800  }
0x19: {  	s5 =	simm.s32 $0xC000;
	s10 =	simm.s32 $0xD800;
	s16 =	simm.s32 $0x10800  }
0x1a: {  	s17 =	simm.s32 $0x11000;
	s20 =	simm.s32 $0x11800;
	[dreg:$0xb] =	wrdreg s0  }
0x1b: {  	s24 =	simm.s32 $0x14000;
	s4 =	sadd.s32 $0x7000, s9;
	[dreg:$0x7] =	wrdreg s25  }
0x1c: {  	s6 =	sadd.s32 $0x8400, s9;
	s0 =	sadd.s32 s7, s14;
	[dreg:$0x8] =	wrdreg s26  }
0x1d: {  	v2 =	vlaneseq.u32;
	s9 =	simm.s32 $0xD000;
	s14 =	simm.s32 $0xF800;
	s7 =	simm.s32 $0x13000  }
0x1e: {  	vm0 =	vmmov $0xffff;
	v1 =	vshrl.u32 v2, $0x3;
	s25 =	simm.s32 $0x1;
	[dreg:$0x12] =	wrdreg s0;
	s0 =	sadd.s32 s23, s22  }
0x1f: {  	v0 =	vand.u32 $0x7, v2;
	v2 =	vor.u32 $0x8, v2;
	v1 =	vmul.u32 $0x8, v1;
	s26 =	simm.s32 $0x2;
	s22 =	simm.s32 $0x12800;
	[dreg:$0x6] =	wrdreg s0  }
.LBB2_1:
0x20: {  	[dreg:$0x16] =	wrdreg s1  }
0x21: {  	s0 =	rddreg [dreg:$0xa];
	s1 =	simm.s32 $0x1000  }
0x22: {  	[tilespmem:s1], [sflag:$0x3] =	stream.linear.gather [hbm4b:s0+s2], $0xA000, $0x38;
	[tilespmem:$0x1B000] =	vst v63  }
0x23: {  	_ =	swait.ge [sflag:s18], $0xA000  }
0x24: {  	[sflag:s18] =	ssyncset.done $0x0  }
0x25: {  	[sflag:s18] =	ssyncadd.s32 $0xFFFF6000  }
0x26: {  	[hbm4b:s4+s2] =	stream.linear.scatter [tilespmem:s1], [sflag:$0x3], $0xA000, $0x38;
	[tilespmem:$0x1B000] =	vst v63  }
0x27: {  	_ =	swait.ge [sflag:s18], $0xA000  }
0x28: {  	[sflag:s18] =	ssyncset.done $0x0  }
0x29: {  	s23 =	rddreg [dreg:$0xb];
	[sflag:s18] =	ssyncadd.s32 $0xFFFF6000  }
0x2a: {  	[tilespmem:s1], [sflag:$0x3] =	stream.linear.gather [hbm4b:s23+s2], $0xA000, $0x38;
	[tilespmem:$0x1B000] =	vst v63  }
0x2b: {  	_ =	swait.ge [sflag:s18], $0xA000  }
0x2c: {  	[sflag:s18] =	ssyncset.done $0x0  }
0x2d: {  	[sflag:s18] =	ssyncadd.s32 $0xFFFF6000  }
0x2e: {  	[hbm4b:s6+s2] =	stream.linear.scatter [tilespmem:s1], [sflag:$0x3], $0xA000, $0x38;
	[tilespmem:$0x1B000] =	vst v63  }
0x2f: {  	_ =	swait.ge [sflag:s18], $0xA000  }
0x30: {  	[sflag:s18] =	ssyncset.done $0x0  }
0x31: {  	s1 =	rddreg [dreg:$0xc];
	[sflag:s18] =	ssyncadd.s32 $0xFFFF6000  }
0x32: {  	[tilespmem:s2], [sflag:$0x3] =	stream.linear.gather [hbm4b:s1+s2], $0x1000, $0x38;
	[tilespmem:$0x1B000] =	vst v63  }
0x33: {  	_ =	swait.ge [sflag:s18], $0x1000  }
0x34: {  	[sflag:s18] =	ssyncset.done $0x0  }
0x35: {  	[sflag:s18] =	ssyncadd.s32 $0xFFFFF000  }
0x36: {  	v3 =	vld [tilespmem:$0x0];
	_ =	sdelay $0x4  }
0x37: {  	v4 =	vshll.u32 v3, $0x3  }
0x38: {  	v3 =	vand.u32 $0x7, v3;
	v4 =	vand.u32 $0xFFFFFFC0, v4  }
0x39: {  	v3 =	vor.u32 v3, v4  }
0x3a: {  	v4 =	vperm.xlane v3, v0;
	_ =	sdelay $0x1  }
0x3b: {  	v4 =	vadd.s32 v1, v4;
	_ =	sdelay $0x4  }
0x3c: {  	[tilespmem:s19], [sflag:$0x1] =	stream.indirect_vreg.gather [hbm4b:s4+s2], $0x80, v4, vm0, $0xb8;
	[tilespmem:$0x1B000] =	vst v63  }
0x3d: {  	s28 =	sadd.s32 $0x100, s4;
	v3 =	vperm.xlane v3, v2  }
0x3e: {  	[tilespmem:s3], [sflag:$0x1] =	stream.indirect_vreg.gather [hbm4b:s28+s2], $0x80, v4, vm0, $0xb8;
	[tilespmem:$0x1B000] =	vst v63  }
0x3f: {  	s29 =	sadd.s32 $0x200, s4;
	v3 =	vadd.s32 v1, v3  }
0x40: {  	[tilespmem:s5], [sflag:$0x1] =	stream.indirect_vreg.gather [hbm4b:s29+s2], $0x80, v4, vm0, $0xb8;
	[tilespmem:$0x1B000] =	vst v63  }
0x41: {  	s30 =	sadd.s32 $0x300, s4  }
0x42: {  	[tilespmem:s8], [sflag:$0x1] =	stream.indirect_vreg.gather [hbm4b:s30+s2], $0x80, v4, vm0, $0xb8;
	[tilespmem:$0x1B000] =	vst v63  }
0x43: {  	_ = 	snop  }
0x44: {  	[tilespmem:s9], [sflag:$0x1] =	stream.indirect_vreg.gather [hbm4b:s4+s2], $0x80, v3, vm0, $0xb8;
	[tilespmem:$0x1B000] =	vst v63  }
0x45: {  	_ = 	snop  }
0x46: {  	[tilespmem:s10], [sflag:$0x1] =	stream.indirect_vreg.gather [hbm4b:s28+s2], $0x80, v3, vm0, $0xb8;
	[tilespmem:$0x1B000] =	vst v63  }
0x47: {  	_ = 	snop  }
0x48: {  	[tilespmem:s11], [sflag:$0x1] =	stream.indirect_vreg.gather [hbm4b:s29+s2], $0x80, v3, vm0, $0xb8;
	[tilespmem:$0x1B000] =	vst v63  }
0x49: {  	_ = 	snop  }
0x4a: {  	[tilespmem:s12], [sflag:$0x1] =	stream.indirect_vreg.gather [hbm4b:s30+s2], $0x80, v3, vm0, $0xb8;
	[tilespmem:$0x1B000] =	vst v63  }
0x4b: {  	v3 =	vld [tilespmem:$0x10];
	_ =	sdelay $0x4  }
0x4c: {  	v61 =	vshll.u32 v3, $0x3  }
0x4d: {  	v3 =	vand.u32 $0x7, v3;
	v4 =	vand.u32 $0xFFFFFFC0, v61  }
0x4e: {  	v3 =	vor.u32 v3, v4  }
0x4f: {  	v4 =	vperm.xlane v3, v0;
	_ =	sdelay $0x1  }
0x50: {  	v4 =	vadd.s32 v1, v4;
	_ =	sdelay $0x4  }
0x51: {  	[tilespmem:s13], [sflag:$0x1] =	stream.indirect_vreg.gather [hbm4b:s4+s2], $0x80, v4, vm0, $0xb8;
	[tilespmem:$0x1B000] =	vst v63  }
0x52: {  	v3 =	vperm.xlane v3, v2  }
0x53: {  	[tilespmem:s14], [sflag:$0x1] =	stream.indirect_vreg.gather [hbm4b:s28+s2], $0x80, v4, vm0, $0xb8;
	[tilespmem:$0x1B000] =	vst v63  }
0x54: {  	v3 =	vadd.s32 v1, v3  }
0x55: {  	[tilespmem:s15], [sflag:$0x1] =	stream.indirect_vreg.gather [hbm4b:s29+s2], $0x80, v4, vm0, $0xb8;
	[tilespmem:$0x1B000] =	vst v63  }
0x56: {  	_ = 	snop  }
0x57: {  	[tilespmem:s16], [sflag:$0x1] =	stream.indirect_vreg.gather [hbm4b:s30+s2], $0x80, v4, vm0, $0xb8;
	[tilespmem:$0x1B000] =	vst v63  }
0x58: {  	_ = 	snop  }
0x59: {  	[tilespmem:s17], [sflag:$0x1] =	stream.indirect_vreg.gather [hbm4b:s4+s2], $0x80, v3, vm0, $0xb8;
	[tilespmem:$0x1B000] =	vst v63  }
0x5a: {  	_ = 	snop  }
0x5b: {  	[tilespmem:s20], [sflag:$0x1] =	stream.indirect_vreg.gather [hbm4b:s28+s2], $0x80, v3, vm0, $0xb8;
	[tilespmem:$0x1B000] =	vst v63  }
0x5c: {  	_ = 	snop  }
0x5d: {  	[tilespmem:s21], [sflag:$0x1] =	stream.indirect_vreg.gather [hbm4b:s29+s2], $0x80, v3, vm0, $0xb8;
	[tilespmem:$0x1B000] =	vst v63  }
0x5e: {  	_ = 	snop  }
0x5f: {  	[tilespmem:s22], [sflag:$0x1] =	stream.indirect_vreg.gather [hbm4b:s30+s2], $0x80, v3, vm0, $0xb8;
	[tilespmem:$0x1B000] =	vst v63  }
0x60: {  	v3 =	vld [tilespmem:$0x80];
	_ =	sdelay $0x4  }
0x61: {  	v62 =	vshll.u32 v3, $0x3  }
0x62: {  	v3 =	vand.u32 $0x7, v3;
	v4 =	vand.u32 $0xFFFFFFC0, v62  }
0x63: {  	v3 =	vor.u32 v3, v4  }
0x64: {  	v4 =	vperm.xlane v3, v0;
	_ =	sdelay $0x1  }
0x65: {  	v4 =	vadd.s32 v1, v4;
	_ =	sdelay $0x4  }
0x66: {  	[tilespmem:s7], [sflag:$0x2] =	stream.indirect_vreg.gather [hbm4b:s4+s2], $0x80, v4, vm0, $0xb8;
	[tilespmem:$0x1B000] =	vst v63  }
0x67: {  	s22 =	simm.s32 $0x13800;
	v3 =	vperm.xlane v3, v2  }
0x68: {  	[tilespmem:s22], [sflag:$0x2] =	stream.indirect_vreg.gather [hbm4b:s28+s2], $0x80, v4, vm0, $0xb8;
	[tilespmem:$0x1B000] =	vst v63  }
0x69: {  	v3 =	vadd.s32 v1, v3  }
0x6a: {  	[tilespmem:s24], [sflag:$0x2] =	stream.indirect_vreg.gather [hbm4b:s29+s2], $0x80, v4, vm0, $0xb8;
	[tilespmem:$0x1B000] =	vst v63  }
0x6b: {  	s8 =	simm.s32 $0x14800  }
0x6c: {  	[tilespmem:s8], [sflag:$0x2] =	stream.indirect_vreg.gather [hbm4b:s30+s2], $0x80, v4, vm0, $0xb8;
	[tilespmem:$0x1B000] =	vst v63  }
0x6d: {  	s10 =	simm.s32 $0x15000  }
0x6e: {  	[tilespmem:s10], [sflag:$0x2] =	stream.indirect_vreg.gather [hbm4b:s4+s2], $0x80, v3, vm0, $0xb8;
	[tilespmem:$0x1B000] =	vst v63  }
0x6f: {  	s12 =	simm.s32 $0x15800  }
0x70: {  	[tilespmem:s12], [sflag:$0x2] =	stream.indirect_vreg.gather [hbm4b:s28+s2], $0x80, v3, vm0, $0xb8;
	[tilespmem:$0x1B000] =	vst v63  }
0x71: {  	s14 =	simm.s32 $0x16000  }
0x72: {  	[tilespmem:s14], [sflag:$0x2] =	stream.indirect_vreg.gather [hbm4b:s29+s2], $0x80, v3, vm0, $0xb8;
	[tilespmem:$0x1B000] =	vst v63  }
0x73: {  	s16 =	simm.s32 $0x16800  }
0x74: {  	[tilespmem:s16], [sflag:$0x2] =	stream.indirect_vreg.gather [hbm4b:s30+s2], $0x80, v3, vm0, $0xb8;
	[tilespmem:$0x1B000] =	vst v63  }
0x75: {  	v3 =	vld [tilespmem:$0x90];
	_ =	sdelay $0x4  }
0x76: {  	v63 =	vshll.u32 v3, $0x3  }
0x77: {  	v3 =	vand.u32 $0x7, v3;
	v4 =	vand.u32 $0xFFFFFFC0, v63  }
0x78: {  	v3 =	vor.u32 v3, v4  }
0x79: {  	v4 =	vperm.xlane v3, v0;
	_ =	sdelay $0x1  }
0x7a: {  	v4 =	vadd.s32 v1, v4;
	_ =	sdelay $0x3  }
0x7b: {  	s20 =	simm.s32 $0x17000  }
0x7c: {  	[tilespmem:s20], [sflag:$0x2] =	stream.indirect_vreg.gather [hbm4b:s4+s2], $0x80, v4, vm0, $0xb8;
	[tilespmem:$0x1B000] =	vst v63  }
0x7d: {  	s22 =	simm.s32 $0x17800;
	v3 =	vperm.xlane v3, v2  }
0x7e: {  	[tilespmem:s22], [sflag:$0x2] =	stream.indirect_vreg.gather [hbm4b:s28+s2], $0x80, v4, vm0, $0xb8;
	[tilespmem:$0x1B000] =	vst v63  }
0x7f: {  	s23 =	simm.s32 $0x18000;
	v3 =	vadd.s32 v1, v3  }
0x80: {  	[tilespmem:s23], [sflag:$0x2] =	stream.indirect_vreg.gather [hbm4b:s29+s2], $0x80, v4, vm0, $0xb8;
	[tilespmem:$0x1B000] =	vst v63  }
0x81: {  	s9 =	simm.s32 $0x18800  }
0x82: {  	[tilespmem:s9], [sflag:$0x2] =	stream.indirect_vreg.gather [hbm4b:s30+s2], $0x80, v4, vm0, $0xb8;
	[tilespmem:$0x1B000] =	vst v63  }
0x83: {  	s11 =	simm.s32 $0x19000  }
0x84: {  	[tilespmem:s11], [sflag:$0x2] =	stream.indirect_vreg.gather [hbm4b:s4+s2], $0x80, v3, vm0, $0xb8;
	[tilespmem:$0x1B000] =	vst v63  }
0x85: {  	s13 =	simm.s32 $0x19800  }
0x86: {  	[tilespmem:s13], [sflag:$0x2] =	stream.indirect_vreg.gather [hbm4b:s28+s2], $0x80, v3, vm0, $0xb8;
	[tilespmem:$0x1B000] =	vst v63  }
0x87: {  	s31 =	simm.s32 $0x190;
	s1 =	simm.s32 $0x0;
	s15 =	simm.s32 $0x1A000  }
0x88: {  	[tilespmem:s15], [sflag:$0x2] =	stream.indirect_vreg.gather [hbm4b:s29+s2], $0x80, v3, vm0, $0xb8;
	[tilespmem:$0x1B000] =	vst v63  }
0x89: {  	s17 =	simm.s32 $0x1A800;
	s21 =	simm.s32 $0x12000;
	s23 =	simm.s32 $0x12800  }
0x8a: {  	[tilespmem:s17], [sflag:$0x2] =	stream.indirect_vreg.gather [hbm4b:s30+s2], $0x80, v3, vm0, $0xb8;
	[tilespmem:$0x1B000] =	vst v63  }
.LBB2_2:
0x8b: {  	_ =	swait.ge [sflag:s25], $0x8000  }
0x8c: {  	s0 =	rddreg [dreg:$0x6];
	[sflag:s25] =	ssyncset.done $0x0  }
0x8d: {  	[sflag:s25] =	ssyncadd.s32 $0xFFFF8000;
	s0 =	sadd.s32 s1, s0  }
0x8e: {  	[hbm4b:s0+s2] =	stream.linear.scatter [tilespmem:s19], [sflag:$0x3], $0x8000, $0x38;
	[tilespmem:$0x1B000] =	vst v63  }
0x8f: {  	_ =	swait.ge [sflag:s18], $0x8000  }
0x90: {  	s3 =	rddreg [dreg:$0x7];
	[sflag:s18] =	ssyncset.done $0x0  }
0x91: {  	[sflag:s18] =	ssyncadd.s32 $0xFFFF8000;
	s3 =	sadd.s32 s1, s3  }
0x92: {  	[hbm4b:s3+s2] =	stream.linear.scatter [tilespmem:s19], [sflag:$0x3], $0x8000, $0x38;
	[tilespmem:$0x1B000] =	vst v63  }
0x93: {  	_ =	swait.ge [sflag:s18], $0x8000  }
0x94: {  	[sflag:s18] =	ssyncset.done $0x0  }
0x95: {  	[sflag:s18] =	ssyncadd.s32 $0xFFFF8000  }
0x96: {  	v3 =	vld [tilespmem:s31+$0xFFFFFF70];
	_ =	sdelay $0x4  }
0x97: {  	v4 =	vshll.u32 v3, $0x3  }
0x98: {  	v3 =	vand.u32 $0x7, v3;
	v4 =	vand.u32 $0xFFFFFFC0, v4  }
0x99: {  	v3 =	vor.u32 v3, v4  }
0x9a: {  	v4 =	vperm.xlane v3, v0;
	_ =	sdelay $0x1  }
0x9b: {  	v4 =	vadd.s32 v1, v4;
	_ =	sdelay $0x4  }
0x9c: {  	[tilespmem:s19], [sflag:$0x1] =	stream.indirect_vreg.gather [hbm4b:s4+s2], $0x80, v4, vm0, $0xb8;
	[tilespmem:$0x1B000] =	vst v63  }
0x9d: {  	s5 =	simm.s32 $0xB800;
	v3 =	vperm.xlane v3, v2  }
0x9e: {  	[tilespmem:s5], [sflag:$0x1] =	stream.indirect_vreg.gather [hbm4b:s28+s2], $0x80, v4, vm0, $0xb8;
	[tilespmem:$0x1B000] =	vst v63  }
0x9f: {  	v3 =	vadd.s32 v1, v3;
	s5 =	simm.s32 $0xC000  }
0xa0: {  	[tilespmem:s5], [sflag:$0x1] =	stream.indirect_vreg.gather [hbm4b:s29+s2], $0x80, v4, vm0, $0xb8;
	[tilespmem:$0x1B000] =	vst v63  }
0xa1: {  	s5 =	simm.s32 $0xC800  }
0xa2: {  	[tilespmem:s5], [sflag:$0x1] =	stream.indirect_vreg.gather [hbm4b:s30+s2], $0x80, v4, vm0, $0xb8;
	[tilespmem:$0x1B000] =	vst v63  }
0xa3: {  	s5 =	simm.s32 $0xD000  }
0xa4: {  	[tilespmem:s5], [sflag:$0x1] =	stream.indirect_vreg.gather [hbm4b:s4+s2], $0x80, v3, vm0, $0xb8;
	[tilespmem:$0x1B000] =	vst v63  }
0xa5: {  	s5 =	simm.s32 $0xD800  }
0xa6: {  	[tilespmem:s5], [sflag:$0x1] =	stream.indirect_vreg.gather [hbm4b:s28+s2], $0x80, v3, vm0, $0xb8;
	[tilespmem:$0x1B000] =	vst v63  }
0xa7: {  	s5 =	simm.s32 $0xE000  }
0xa8: {  	[tilespmem:s5], [sflag:$0x1] =	stream.indirect_vreg.gather [hbm4b:s29+s2], $0x80, v3, vm0, $0xb8;
	[tilespmem:$0x1B000] =	vst v63  }
0xa9: {  	s5 =	simm.s32 $0xE800  }
0xaa: {  	[tilespmem:s5], [sflag:$0x1] =	stream.indirect_vreg.gather [hbm4b:s30+s2], $0x80, v3, vm0, $0xb8;
	[tilespmem:$0x1B000] =	vst v63  }
0xab: {  	v3 =	vld [tilespmem:s31+$0xFFFFFF80];
	_ =	sdelay $0x4  }
0xac: {  	v61 =	vshll.u32 v3, $0x3  }
0xad: {  	v3 =	vand.u32 $0x7, v3;
	v4 =	vand.u32 $0xFFFFFFC0, v61  }
0xae: {  	v3 =	vor.u32 v3, v4  }
0xaf: {  	v4 =	vperm.xlane v3, v0;
	_ =	sdelay $0x1  }
0xb0: {  	v4 =	vadd.s32 v1, v4;
	_ =	sdelay $0x3  }
0xb1: {  	s5 =	simm.s32 $0xF000  }
0xb2: {  	[tilespmem:s5], [sflag:$0x1] =	stream.indirect_vreg.gather [hbm4b:s4+s2], $0x80, v4, vm0, $0xb8;
	[tilespmem:$0x1B000] =	vst v63  }
0xb3: {  	v3 =	vperm.xlane v3, v2;
	s5 =	simm.s32 $0xF800  }
0xb4: {  	[tilespmem:s5], [sflag:$0x1] =	stream.indirect_vreg.gather [hbm4b:s28+s2], $0x80, v4, vm0, $0xb8;
	[tilespmem:$0x1B000] =	vst v63  }
0xb5: {  	v3 =	vadd.s32 v1, v3;
	s5 =	simm.s32 $0x10000  }
0xb6: {  	[tilespmem:s5], [sflag:$0x1] =	stream.indirect_vreg.gather [hbm4b:s29+s2], $0x80, v4, vm0, $0xb8;
	[tilespmem:$0x1B000] =	vst v63  }
0xb7: {  	s5 =	simm.s32 $0x10800  }
0xb8: {  	[tilespmem:s5], [sflag:$0x1] =	stream.indirect_vreg.gather [hbm4b:s30+s2], $0x80, v4, vm0, $0xb8;
	[tilespmem:$0x1B000] =	vst v63  }
0xb9: {  	s5 =	simm.s32 $0x11000  }
0xba: {  	[tilespmem:s5], [sflag:$0x1] =	stream.indirect_vreg.gather [hbm4b:s4+s2], $0x80, v3, vm0, $0xb8;
	[tilespmem:$0x1B000] =	vst v63  }
0xbb: {  	s5 =	simm.s32 $0x11800  }
0xbc: {  	[tilespmem:s5], [sflag:$0x1] =	stream.indirect_vreg.gather [hbm4b:s28+s2], $0x80, v3, vm0, $0xb8;
	[tilespmem:$0x1B000] =	vst v63  }
0xbd: {  	_ = 	snop  }
0xbe: {  	[tilespmem:s21], [sflag:$0x1] =	stream.indirect_vreg.gather [hbm4b:s29+s2], $0x80, v3, vm0, $0xb8;
	[tilespmem:$0x1B000] =	vst v63  }
0xbf: {  	_ = 	snop  }
0xc0: {  	[tilespmem:s23], [sflag:$0x1] =	stream.indirect_vreg.gather [hbm4b:s30+s2], $0x80, v3, vm0, $0xb8;
	[tilespmem:$0x1B000] =	vst v63  }
0xc1: {  	_ =	swait.ge [sflag:s26], $0x8000  }
0xc2: {  	[sflag:s26] =	ssyncset.done $0x0  }
0xc3: {  	s0 =	sadd.s32 $0x1000, s0;
	[sflag:s26] =	ssyncadd.s32 $0xFFFF8000  }
0xc4: {  	[hbm4b:s0+s2] =	stream.linear.scatter [tilespmem:s7], [sflag:$0x3], $0x8000, $0x38;
	[tilespmem:$0x1B000] =	vst v63  }
0xc5: {  	_ =	swait.ge [sflag:s18], $0x8000  }
0xc6: {  	[sflag:s18] =	ssyncset.done $0x0  }
0xc7: {  	s5 =	sadd.s32 $0x1000, s3;
	[sflag:s18] =	ssyncadd.s32 $0xFFFF8000  }
0xc8: {  	[hbm4b:s5+s2] =	stream.linear.scatter [tilespmem:s7], [sflag:$0x3], $0x8000, $0x38;
	[tilespmem:$0x1B000] =	vst v63  }
0xc9: {  	_ =	swait.ge [sflag:s18], $0x8000  }
0xca: {  	[sflag:s18] =	ssyncset.done $0x0  }
0xcb: {  	[sflag:s18] =	ssyncadd.s32 $0xFFFF8000  }
0xcc: {  	v3 =	vld [tilespmem:s31+$0xFFFFFFF0];
	_ =	sdelay $0x4  }
0xcd: {  	v62 =	vshll.u32 v3, $0x3  }
0xce: {  	v3 =	vand.u32 $0x7, v3;
	v4 =	vand.u32 $0xFFFFFFC0, v62  }
0xcf: {  	v3 =	vor.u32 v3, v4  }
0xd0: {  	v4 =	vperm.xlane v3, v0;
	_ =	sdelay $0x1  }
0xd1: {  	v4 =	vadd.s32 v1, v4;
	_ =	sdelay $0x4  }
0xd2: {  	[tilespmem:s7], [sflag:$0x2] =	stream.indirect_vreg.gather [hbm4b:s4+s2], $0x80, v4, vm0, $0xb8;
	[tilespmem:$0x1B000] =	vst v63  }
0xd3: {  	s3 =	simm.s32 $0x13800;
	v3 =	vperm.xlane v3, v2  }
0xd4: {  	[tilespmem:s3], [sflag:$0x2] =	stream.indirect_vreg.gather [hbm4b:s28+s2], $0x80, v4, vm0, $0xb8;
	[tilespmem:$0x1B000] =	vst v63  }
0xd5: {  	v3 =	vadd.s32 v1, v3  }
0xd6: {  	[tilespmem:s24], [sflag:$0x2] =	stream.indirect_vreg.gather [hbm4b:s29+s2], $0x80, v4, vm0, $0xb8;
	[tilespmem:$0x1B000] =	vst v63  }
0xd7: {  	_ = 	snop  }
0xd8: {  	[tilespmem:s8], [sflag:$0x2] =	stream.indirect_vreg.gather [hbm4b:s30+s2], $0x80, v4, vm0, $0xb8;
	[tilespmem:$0x1B000] =	vst v63  }
0xd9: {  	_ = 	snop  }
0xda: {  	[tilespmem:s10], [sflag:$0x2] =	stream.indirect_vreg.gather [hbm4b:s4+s2], $0x80, v3, vm0, $0xb8;
	[tilespmem:$0x1B000] =	vst v63  }
0xdb: {  	_ = 	snop  }
0xdc: {  	[tilespmem:s12], [sflag:$0x2] =	stream.indirect_vreg.gather [hbm4b:s28+s2], $0x80, v3, vm0, $0xb8;
	[tilespmem:$0x1B000] =	vst v63  }
0xdd: {  	_ = 	snop  }
0xde: {  	[tilespmem:s14], [sflag:$0x2] =	stream.indirect_vreg.gather [hbm4b:s29+s2], $0x80, v3, vm0, $0xb8;
	[tilespmem:$0x1B000] =	vst v63  }
0xdf: {  	_ = 	snop  }
0xe0: {  	[tilespmem:s16], [sflag:$0x2] =	stream.indirect_vreg.gather [hbm4b:s30+s2], $0x80, v3, vm0, $0xb8;
	[tilespmem:$0x1B000] =	vst v63  }
0xe1: {  	v3 =	vld [tilespmem:s31+$0x0];
	_ =	sdelay $0x4  }
0xe2: {  	v63 =	vshll.u32 v3, $0x3  }
0xe3: {  	v3 =	vand.u32 $0x7, v3;
	v4 =	vand.u32 $0xFFFFFFC0, v63  }
0xe4: {  	v3 =	vor.u32 v3, v4  }
0xe5: {  	v4 =	vperm.xlane v3, v0;
	_ =	sdelay $0x1  }
0xe6: {  	v4 =	vadd.s32 v1, v4;
	_ =	sdelay $0x4  }
0xe7: {  	[tilespmem:s20], [sflag:$0x2] =	stream.indirect_vreg.gather [hbm4b:s4+s2], $0x80, v4, vm0, $0xb8;
	[tilespmem:$0x1B000] =	vst v63  }
0xe8: {  	v3 =	vperm.xlane v3, v2  }
0xe9: {  	[tilespmem:s22], [sflag:$0x2] =	stream.indirect_vreg.gather [hbm4b:s28+s2], $0x80, v4, vm0, $0xb8;
	[tilespmem:$0x1B000] =	vst v63  }
0xea: {  	s5 =	simm.s32 $0x18000;
	v3 =	vadd.s32 v1, v3  }
0xeb: {  	[tilespmem:s5], [sflag:$0x2] =	stream.indirect_vreg.gather [hbm4b:s29+s2], $0x80, v4, vm0, $0xb8;
	[tilespmem:$0x1B000] =	vst v63  }
0xec: {  	_ = 	snop  }
0xed: {  	[tilespmem:s9], [sflag:$0x2] =	stream.indirect_vreg.gather [hbm4b:s30+s2], $0x80, v4, vm0, $0xb8;
	[tilespmem:$0x1B000] =	vst v63  }
0xee: {  	_ = 	snop  }
0xef: {  	[tilespmem:s11], [sflag:$0x2] =	stream.indirect_vreg.gather [hbm4b:s4+s2], $0x80, v3, vm0, $0xb8;
	[tilespmem:$0x1B000] =	vst v63  }
0xf0: {  	p0 =	sne.s32 s1, $0x1C000  }
0xf1: {  	[tilespmem:s13], [sflag:$0x2] =	stream.indirect_vreg.gather [hbm4b:s28+s2], $0x80, v3, vm0, $0xb8;
	[tilespmem:$0x1B000] =	vst v63  }
.Ltmp0:
0xf2: {  	_ = 	snop;
	(pc) =	sbr.rel @p0 .LBB2_2-.Ltmp0, $4  }
0xf3: {  	_ = 	snop  }
0xf4: {  	[tilespmem:s15], [sflag:$0x2] =	stream.indirect_vreg.gather [hbm4b:s29+s2], $0x80, v3, vm0, $0xb8;
	[tilespmem:$0x1B000] =	vst v63  }
0xf5: {  	s1 =	sadd.s32 $0x2000, s1;
	s31 =	sadd.s32 $0x100, s31  }
0xf6: {  	[tilespmem:s17], [sflag:$0x2] =	stream.indirect_vreg.gather [hbm4b:s30+s2], $0x80, v3, vm0, $0xb8;
	[tilespmem:$0x1B000] =	vst v63  }
0xf7: {  	_ =	swait.ge [sflag:s25], $0x8000  }
0xf8: {  	[sflag:s25] =	ssyncset.done $0x0  }
0xf9: {  	s28 =	simm.s32 $0x0;
	s0 =	rddreg [dreg:$0xd];
	[sflag:s25] =	ssyncadd.s32 $0xFFFF8000  }
0xfa: {  	[hbm4b:s0+s28] =	stream.linear.scatter [tilespmem:s19], [sflag:$0x3], $0x8000, $0x38;
	[tilespmem:$0x1B000] =	vst v63  }
0xfb: {  	_ =	swait.ge [sflag:s18], $0x8000  }
0xfc: {  	[sflag:s18] =	ssyncset.done $0x0  }
0xfd: {  	s1 =	rddreg [dreg:$0xe];
	[sflag:s18] =	ssyncadd.s32 $0xFFFF8000  }
0xfe: {  	[hbm4b:s1+s28] =	stream.linear.scatter [tilespmem:s19], [sflag:$0x3], $0x8000, $0x38;
	[tilespmem:$0x1B000] =	vst v63  }
0xff: {  	_ =	swait.ge [sflag:s18], $0x8000  }
0x100: {  	[sflag:s18] =	ssyncset.done $0x0  }
0x101: {  	[sflag:s18] =	ssyncadd.s32 $0xFFFF8000  }
0x102: {  	_ =	swait.ge [sflag:s26], $0x8000  }
0x103: {  	[sflag:s26] =	ssyncset.done $0x0  }
0x104: {  	s5 =	rddreg [dreg:$0xf];
	[sflag:s26] =	ssyncadd.s32 $0xFFFF8000  }
0x105: {  	[hbm4b:s5+s28] =	stream.linear.scatter [tilespmem:s7], [sflag:$0x3], $0x8000, $0x38;
	[tilespmem:$0x1B000] =	vst v63  }
0x106: {  	_ =	swait.ge [sflag:s18], $0x8000  }
0x107: {  	[sflag:s18] =	ssyncset.done $0x0  }
0x108: {  	s1 =	rddreg [dreg:$0x10];
	[sflag:s18] =	ssyncadd.s32 $0xFFFF8000  }
0x109: {  	[hbm4b:s1+s28] =	stream.linear.scatter [tilespmem:s7], [sflag:$0x3], $0x8000, $0x38;
	[tilespmem:$0x1B000] =	vst v63  }
0x10a: {  	_ =	swait.ge [sflag:s18], $0x8000  }
0x10b: {  	[sflag:s18] =	ssyncset.done $0x0  }
0x10c: {  	[sflag:s18] =	ssyncadd.s32 $0xFFFF8000  }
0x10d: {  	v3 =	vld [tilespmem:$0x0];
	_ =	sdelay $0x4  }
0x10e: {  	v4 =	vshll.u32 v3, $0x3  }
0x10f: {  	v3 =	vand.u32 $0x7, v3;
	v4 =	vand.u32 $0xFFFFFFC0, v4  }
0x110: {  	v3 =	vor.u32 v3, v4  }
0x111: {  	v4 =	vperm.xlane v3, v0;
	_ =	sdelay $0x1  }
0x112: {  	v4 =	vadd.s32 v1, v4;
	_ =	sdelay $0x4  }
0x113: {  	[tilespmem:s19], [sflag:$0x1] =	stream.indirect_vreg.gather [hbm4b:s6+s28], $0x80, v4, vm0, $0xb8;
	[tilespmem:$0x1B000] =	vst v63  }
0x114: {  	s29 =	sadd.s32 $0x100, s6;
	s5 =	simm.s32 $0xB800;
	v3 =	vperm.xlane v3, v2  }
0x115: {  	[tilespmem:s5], [sflag:$0x1] =	stream.indirect_vreg.gather [hbm4b:s29+s28], $0x80, v4, vm0, $0xb8;
	[tilespmem:$0x1B000] =	vst v63  }
0x116: {  	s30 =	sadd.s32 $0x200, s6;
	s1 =	simm.s32 $0xC000;
	v3 =	vadd.s32 v1, v3  }
0x117: {  	[tilespmem:s1], [sflag:$0x1] =	stream.indirect_vreg.gather [hbm4b:s30+s28], $0x80, v4, vm0, $0xb8;
	[tilespmem:$0x1B000] =	vst v63  }
0x118: {  	s31 =	sadd.s32 $0x300, s6;
	s5 =	simm.s32 $0xC800  }
0x119: {  	[tilespmem:s5], [sflag:$0x1] =	stream.indirect_vreg.gather [hbm4b:s31+s28], $0x80, v4, vm0, $0xb8;
	[tilespmem:$0x1B000] =	vst v63  }
0x11a: {  	s1 =	simm.s32 $0xD000  }
0x11b: {  	[tilespmem:s1], [sflag:$0x1] =	stream.indirect_vreg.gather [hbm4b:s6+s28], $0x80, v3, vm0, $0xb8;
	[tilespmem:$0x1B000] =	vst v63  }
0x11c: {  	s5 =	simm.s32 $0xD800  }
0x11d: {  	[tilespmem:s5], [sflag:$0x1] =	stream.indirect_vreg.gather [hbm4b:s29+s28], $0x80, v3, vm0, $0xb8;
	[tilespmem:$0x1B000] =	vst v63  }
0x11e: {  	s1 =	simm.s32 $0xE000  }
0x11f: {  	[tilespmem:s1], [sflag:$0x1] =	stream.indirect_vreg.gather [hbm4b:s30+s28], $0x80, v3, vm0, $0xb8;
	[tilespmem:$0x1B000] =	vst v63  }
0x120: {  	s5 =	simm.s32 $0xE800  }
0x121: {  	[tilespmem:s5], [sflag:$0x1] =	stream.indirect_vreg.gather [hbm4b:s31+s28], $0x80, v3, vm0, $0xb8;
	[tilespmem:$0x1B000] =	vst v63  }
0x122: {  	v3 =	vld [tilespmem:$0x10];
	_ =	sdelay $0x4  }
0x123: {  	v61 =	vshll.u32 v3, $0x3  }
0x124: {  	v3 =	vand.u32 $0x7, v3;
	v4 =	vand.u32 $0xFFFFFFC0, v61  }
0x125: {  	v3 =	vor.u32 v3, v4  }
0x126: {  	v4 =	vperm.xlane v3, v0;
	_ =	sdelay $0x1  }
0x127: {  	v4 =	vadd.s32 v1, v4;
	_ =	sdelay $0x3  }
0x128: {  	s1 =	simm.s32 $0xF000  }
0x129: {  	[tilespmem:s1], [sflag:$0x1] =	stream.indirect_vreg.gather [hbm4b:s6+s28], $0x80, v4, vm0, $0xb8;
	[tilespmem:$0x1B000] =	vst v63  }
0x12a: {  	s5 =	simm.s32 $0xF800;
	v3 =	vperm.xlane v3, v2  }
0x12b: {  	[tilespmem:s5], [sflag:$0x1] =	stream.indirect_vreg.gather [hbm4b:s29+s28], $0x80, v4, vm0, $0xb8;
	[tilespmem:$0x1B000] =	vst v63  }
0x12c: {  	v3 =	vadd.s32 v1, v3;
	s1 =	simm.s32 $0x10000  }
0x12d: {  	[tilespmem:s1], [sflag:$0x1] =	stream.indirect_vreg.gather [hbm4b:s30+s28], $0x80, v4, vm0, $0xb8;
	[tilespmem:$0x1B000] =	vst v63  }
0x12e: {  	s5 =	simm.s32 $0x10800  }
0x12f: {  	[tilespmem:s5], [sflag:$0x1] =	stream.indirect_vreg.gather [hbm4b:s31+s28], $0x80, v4, vm0, $0xb8;
	[tilespmem:$0x1B000] =	vst v63  }
0x130: {  	s1 =	simm.s32 $0x11000  }
0x131: {  	[tilespmem:s1], [sflag:$0x1] =	stream.indirect_vreg.gather [hbm4b:s6+s28], $0x80, v3, vm0, $0xb8;
	[tilespmem:$0x1B000] =	vst v63  }
0x132: {  	s5 =	simm.s32 $0x11800  }
0x133: {  	[tilespmem:s5], [sflag:$0x1] =	stream.indirect_vreg.gather [hbm4b:s29+s28], $0x80, v3, vm0, $0xb8;
	[tilespmem:$0x1B000] =	vst v63  }
0x134: {  	_ = 	snop  }
0x135: {  	[tilespmem:s21], [sflag:$0x1] =	stream.indirect_vreg.gather [hbm4b:s30+s28], $0x80, v3, vm0, $0xb8;
	[tilespmem:$0x1B000] =	vst v63  }
0x136: {  	_ = 	snop  }
0x137: {  	[tilespmem:s23], [sflag:$0x1] =	stream.indirect_vreg.gather [hbm4b:s31+s28], $0x80, v3, vm0, $0xb8;
	[tilespmem:$0x1B000] =	vst v63  }
0x138: {  	v3 =	vld [tilespmem:$0x80];
	_ =	sdelay $0x4  }
0x139: {  	v62 =	vshll.u32 v3, $0x3  }
0x13a: {  	v3 =	vand.u32 $0x7, v3;
	v4 =	vand.u32 $0xFFFFFFC0, v62  }
0x13b: {  	v3 =	vor.u32 v3, v4  }
0x13c: {  	v4 =	vperm.xlane v3, v0;
	_ =	sdelay $0x1  }
0x13d: {  	v4 =	vadd.s32 v1, v4;
	_ =	sdelay $0x4  }
0x13e: {  	[tilespmem:s7], [sflag:$0x2] =	stream.indirect_vreg.gather [hbm4b:s6+s28], $0x80, v4, vm0, $0xb8;
	[tilespmem:$0x1B000] =	vst v63  }
0x13f: {  	v3 =	vperm.xlane v3, v2  }
0x140: {  	[tilespmem:s3], [sflag:$0x2] =	stream.indirect_vreg.gather [hbm4b:s29+s28], $0x80, v4, vm0, $0xb8;
	[tilespmem:$0x1B000] =	vst v63  }
0x141: {  	v3 =	vadd.s32 v1, v3  }
0x142: {  	[tilespmem:s24], [sflag:$0x2] =	stream.indirect_vreg.gather [hbm4b:s30+s28], $0x80, v4, vm0, $0xb8;
	[tilespmem:$0x1B000] =	vst v63  }
0x143: {  	_ = 	snop  }
0x144: {  	[tilespmem:s8], [sflag:$0x2] =	stream.indirect_vreg.gather [hbm4b:s31+s28], $0x80, v4, vm0, $0xb8;
	[tilespmem:$0x1B000] =	vst v63  }
0x145: {  	_ = 	snop  }
0x146: {  	[tilespmem:s10], [sflag:$0x2] =	stream.indirect_vreg.gather [hbm4b:s6+s28], $0x80, v3, vm0, $0xb8;
	[tilespmem:$0x1B000] =	vst v63  }
0x147: {  	_ = 	snop  }
0x148: {  	[tilespmem:s12], [sflag:$0x2] =	stream.indirect_vreg.gather [hbm4b:s29+s28], $0x80, v3, vm0, $0xb8;
	[tilespmem:$0x1B000] =	vst v63  }
0x149: {  	_ = 	snop  }
0x14a: {  	[tilespmem:s14], [sflag:$0x2] =	stream.indirect_vreg.gather [hbm4b:s30+s28], $0x80, v3, vm0, $0xb8;
	[tilespmem:$0x1B000] =	vst v63  }
0x14b: {  	_ = 	snop  }
0x14c: {  	[tilespmem:s16], [sflag:$0x2] =	stream.indirect_vreg.gather [hbm4b:s31+s28], $0x80, v3, vm0, $0xb8;
	[tilespmem:$0x1B000] =	vst v63  }
0x14d: {  	v3 =	vld [tilespmem:$0x90];
	_ =	sdelay $0x4  }
0x14e: {  	v63 =	vshll.u32 v3, $0x3  }
0x14f: {  	v3 =	vand.u32 $0x7, v3;
	v4 =	vand.u32 $0xFFFFFFC0, v63  }
0x150: {  	v3 =	vor.u32 v3, v4  }
0x151: {  	v4 =	vperm.xlane v3, v0;
	_ =	sdelay $0x1  }
0x152: {  	v4 =	vadd.s32 v1, v4;
	_ =	sdelay $0x4  }
0x153: {  	[tilespmem:s20], [sflag:$0x2] =	stream.indirect_vreg.gather [hbm4b:s6+s28], $0x80, v4, vm0, $0xb8;
	[tilespmem:$0x1B000] =	vst v63  }
0x154: {  	v3 =	vperm.xlane v3, v2  }
0x155: {  	[tilespmem:s22], [sflag:$0x2] =	stream.indirect_vreg.gather [hbm4b:s29+s28], $0x80, v4, vm0, $0xb8;
	[tilespmem:$0x1B000] =	vst v63  }
0x156: {  	s24 =	simm.s32 $0x18000;
	v3 =	vadd.s32 v1, v3  }
0x157: {  	[tilespmem:s24], [sflag:$0x2] =	stream.indirect_vreg.gather [hbm4b:s30+s28], $0x80, v4, vm0, $0xb8;
	[tilespmem:$0x1B000] =	vst v63  }
0x158: {  	s1 =	simm.s32 $0x190  }
0x159: {  	[tilespmem:s9], [sflag:$0x2] =	stream.indirect_vreg.gather [hbm4b:s31+s28], $0x80, v4, vm0, $0xb8;
	[tilespmem:$0x1B000] =	vst v63  }
0x15a: {  	s5 =	simm.s32 $0x17800;
	s21 =	simm.s32 $0x1A800;
	s8 =	simm.s32 $0x14000  }
0x15b: {  	[tilespmem:s11], [sflag:$0x2] =	stream.indirect_vreg.gather [hbm4b:s6+s28], $0x80, v3, vm0, $0xb8;
	[tilespmem:$0x1B000] =	vst v63  }
0x15c: {  	s10 =	simm.s32 $0x14800;
	s12 =	simm.s32 $0x15000;
	s14 =	simm.s32 $0x15800  }
0x15d: {  	[tilespmem:s13], [sflag:$0x2] =	stream.indirect_vreg.gather [hbm4b:s29+s28], $0x80, v3, vm0, $0xb8;
	[tilespmem:$0x1B000] =	vst v63  }
0x15e: {  	s16 =	simm.s32 $0x16000;
	s20 =	simm.s32 $0x16800;
	s22 =	simm.s32 $0x17000  }
0x15f: {  	[tilespmem:s15], [sflag:$0x2] =	stream.indirect_vreg.gather [hbm4b:s30+s28], $0x80, v3, vm0, $0xb8;
	[tilespmem:$0x1B000] =	vst v63  }
0x160: {  	s24 =	simm.s32 $0x13800;
	s9 =	simm.s32 $0x18000;
	s11 =	simm.s32 $0x18800  }
0x161: {  	[tilespmem:s17], [sflag:$0x2] =	stream.indirect_vreg.gather [hbm4b:s31+s28], $0x80, v3, vm0, $0xb8;
	[tilespmem:$0x1B000] =	vst v63  }
0x162: {  	s13 =	simm.s32 $0x19000;
	s15 =	simm.s32 $0x19800;
	s17 =	simm.s32 $0x1A000  }
.LBB2_4:
0x163: {  	_ =	swait.ge [sflag:s25], $0x8000  }
0x164: {  	s0 =	rddreg [dreg:$0x8];
	[sflag:s25] =	ssyncset.done $0x0  }
0x165: {  	[sflag:s25] =	ssyncadd.s32 $0xFFFF8000;
	s0 =	sadd.s32 s28, s0  }
0x166: {  	[hbm4b:s0+s2] =	stream.linear.scatter [tilespmem:s19], [sflag:$0x3], $0x8000, $0x38;
	[tilespmem:$0x1B000] =	vst v63  }
0x167: {  	_ =	swait.ge [sflag:s18], $0x8000  }
0x168: {  	s3 =	rddreg [dreg:$0x9];
	[sflag:s18] =	ssyncset.done $0x0  }
0x169: {  	[sflag:s18] =	ssyncadd.s32 $0xFFFF8000;
	s3 =	sadd.s32 s28, s3  }
0x16a: {  	[hbm4b:s3+s2] =	stream.linear.scatter [tilespmem:s19], [sflag:$0x3], $0x8000, $0x38;
	[tilespmem:$0x1B000] =	vst v63  }
0x16b: {  	_ =	swait.ge [sflag:s18], $0x8000  }
0x16c: {  	[sflag:s18] =	ssyncset.done $0x0  }
0x16d: {  	[sflag:s18] =	ssyncadd.s32 $0xFFFF8000  }
0x16e: {  	v3 =	vld [tilespmem:s1+$0xFFFFFF70];
	_ =	sdelay $0x4  }
0x16f: {  	v4 =	vshll.u32 v3, $0x3  }
0x170: {  	v3 =	vand.u32 $0x7, v3;
	v4 =	vand.u32 $0xFFFFFFC0, v4  }
0x171: {  	v3 =	vor.u32 v3, v4  }
0x172: {  	v4 =	vperm.xlane v3, v0;
	_ =	sdelay $0x1  }
0x173: {  	v4 =	vadd.s32 v1, v4;
	_ =	sdelay $0x4  }
0x174: {  	[tilespmem:s19], [sflag:$0x1] =	stream.indirect_vreg.gather [hbm4b:s6+s2], $0x80, v4, vm0, $0xb8;
	[tilespmem:$0x1B000] =	vst v63  }
0x175: {  	s23 =	simm.s32 $0xB800;
	v3 =	vperm.xlane v3, v2  }
0x176: {  	[tilespmem:s23], [sflag:$0x1] =	stream.indirect_vreg.gather [hbm4b:s29+s2], $0x80, v4, vm0, $0xb8;
	[tilespmem:$0x1B000] =	vst v63  }
0x177: {  	v3 =	vadd.s32 v1, v3;
	s23 =	simm.s32 $0xC000  }
0x178: {  	[tilespmem:s23], [sflag:$0x1] =	stream.indirect_vreg.gather [hbm4b:s30+s2], $0x80, v4, vm0, $0xb8;
	[tilespmem:$0x1B000] =	vst v63  }
0x179: {  	s23 =	simm.s32 $0xC800  }
0x17a: {  	[tilespmem:s23], [sflag:$0x1] =	stream.indirect_vreg.gather [hbm4b:s31+s2], $0x80, v4, vm0, $0xb8;
	[tilespmem:$0x1B000] =	vst v63  }
0x17b: {  	s23 =	simm.s32 $0xD000  }
0x17c: {  	[tilespmem:s23], [sflag:$0x1] =	stream.indirect_vreg.gather [hbm4b:s6+s2], $0x80, v3, vm0, $0xb8;
	[tilespmem:$0x1B000] =	vst v63  }
0x17d: {  	s23 =	simm.s32 $0xD800  }
0x17e: {  	[tilespmem:s23], [sflag:$0x1] =	stream.indirect_vreg.gather [hbm4b:s29+s2], $0x80, v3, vm0, $0xb8;
	[tilespmem:$0x1B000] =	vst v63  }
0x17f: {  	s23 =	simm.s32 $0xE000  }
0x180: {  	[tilespmem:s23], [sflag:$0x1] =	stream.indirect_vreg.gather [hbm4b:s30+s2], $0x80, v3, vm0, $0xb8;
	[tilespmem:$0x1B000] =	vst v63  }
0x181: {  	s23 =	simm.s32 $0xE800  }
0x182: {  	[tilespmem:s23], [sflag:$0x1] =	stream.indirect_vreg.gather [hbm4b:s31+s2], $0x80, v3, vm0, $0xb8;
	[tilespmem:$0x1B000] =	vst v63  }
0x183: {  	v3 =	vld [tilespmem:s1+$0xFFFFFF80];
	_ =	sdelay $0x4  }
0x184: {  	v61 =	vshll.u32 v3, $0x3  }
0x185: {  	v3 =	vand.u32 $0x7, v3;
	v4 =	vand.u32 $0xFFFFFFC0, v61  }
0x186: {  	v3 =	vor.u32 v3, v4  }
0x187: {  	v4 =	vperm.xlane v3, v0;
	_ =	sdelay $0x1  }
0x188: {  	v4 =	vadd.s32 v1, v4;
	_ =	sdelay $0x3  }
0x189: {  	s23 =	simm.s32 $0xF000  }
0x18a: {  	[tilespmem:s23], [sflag:$0x1] =	stream.indirect_vreg.gather [hbm4b:s6+s2], $0x80, v4, vm0, $0xb8;
	[tilespmem:$0x1B000] =	vst v63  }
0x18b: {  	v3 =	vperm.xlane v3, v2;
	s23 =	simm.s32 $0xF800  }
0x18c: {  	[tilespmem:s23], [sflag:$0x1] =	stream.indirect_vreg.gather [hbm4b:s29+s2], $0x80, v4, vm0, $0xb8;
	[tilespmem:$0x1B000] =	vst v63  }
0x18d: {  	v3 =	vadd.s32 v1, v3;
	s23 =	simm.s32 $0x10000  }
0x18e: {  	[tilespmem:s23], [sflag:$0x1] =	stream.indirect_vreg.gather [hbm4b:s30+s2], $0x80, v4, vm0, $0xb8;
	[tilespmem:$0x1B000] =	vst v63  }
0x18f: {  	s23 =	simm.s32 $0x10800  }
0x190: {  	[tilespmem:s23], [sflag:$0x1] =	stream.indirect_vreg.gather [hbm4b:s31+s2], $0x80, v4, vm0, $0xb8;
	[tilespmem:$0x1B000] =	vst v63  }
0x191: {  	s23 =	simm.s32 $0x11000  }
0x192: {  	[tilespmem:s23], [sflag:$0x1] =	stream.indirect_vreg.gather [hbm4b:s6+s2], $0x80, v3, vm0, $0xb8;
	[tilespmem:$0x1B000] =	vst v63  }
0x193: {  	s23 =	simm.s32 $0x11800  }
0x194: {  	[tilespmem:s23], [sflag:$0x1] =	stream.indirect_vreg.gather [hbm4b:s29+s2], $0x80, v3, vm0, $0xb8;
	[tilespmem:$0x1B000] =	vst v63  }
0x195: {  	s23 =	simm.s32 $0x12000  }
0x196: {  	[tilespmem:s23], [sflag:$0x1] =	stream.indirect_vreg.gather [hbm4b:s30+s2], $0x80, v3, vm0, $0xb8;
	[tilespmem:$0x1B000] =	vst v63  }
0x197: {  	s23 =	simm.s32 $0x12800  }
0x198: {  	[tilespmem:s23], [sflag:$0x1] =	stream.indirect_vreg.gather [hbm4b:s31+s2], $0x80, v3, vm0, $0xb8;
	[tilespmem:$0x1B000] =	vst v63  }
0x199: {  	_ =	swait.ge [sflag:s26], $0x8000  }
0x19a: {  	[sflag:s26] =	ssyncset.done $0x0  }
0x19b: {  	s0 =	sadd.s32 $0x1000, s0;
	[sflag:s26] =	ssyncadd.s32 $0xFFFF8000  }
0x19c: {  	[hbm4b:s0+s2] =	stream.linear.scatter [tilespmem:s7], [sflag:$0x3], $0x8000, $0x38;
	[tilespmem:$0x1B000] =	vst v63  }
0x19d: {  	_ =	swait.ge [sflag:s18], $0x8000  }
0x19e: {  	[sflag:s18] =	ssyncset.done $0x0  }
0x19f: {  	s23 =	sadd.s32 $0x1000, s3;
	[sflag:s18] =	ssyncadd.s32 $0xFFFF8000  }
0x1a0: {  	[hbm4b:s23+s2] =	stream.linear.scatter [tilespmem:s7], [sflag:$0x3], $0x8000, $0x38;
	[tilespmem:$0x1B000] =	vst v63  }
0x1a1: {  	_ =	swait.ge [sflag:s18], $0x8000  }
0x1a2: {  	[sflag:s18] =	ssyncset.done $0x0  }
0x1a3: {  	[sflag:s18] =	ssyncadd.s32 $0xFFFF8000  }
0x1a4: {  	v3 =	vld [tilespmem:s1+$0xFFFFFFF0];
	_ =	sdelay $0x4  }
0x1a5: {  	v62 =	vshll.u32 v3, $0x3  }
0x1a6: {  	v3 =	vand.u32 $0x7, v3;
	v4 =	vand.u32 $0xFFFFFFC0, v62  }
0x1a7: {  	v3 =	vor.u32 v3, v4  }
0x1a8: {  	v4 =	vperm.xlane v3, v0;
	_ =	sdelay $0x1  }
0x1a9: {  	v4 =	vadd.s32 v1, v4;
	_ =	sdelay $0x4  }
0x1aa: {  	[tilespmem:s7], [sflag:$0x2] =	stream.indirect_vreg.gather [hbm4b:s6+s2], $0x80, v4, vm0, $0xb8;
	[tilespmem:$0x1B000] =	vst v63  }
0x1ab: {  	v3 =	vperm.xlane v3, v2  }
0x1ac: {  	[tilespmem:s24], [sflag:$0x2] =	stream.indirect_vreg.gather [hbm4b:s29+s2], $0x80, v4, vm0, $0xb8;
	[tilespmem:$0x1B000] =	vst v63  }
0x1ad: {  	v3 =	vadd.s32 v1, v3  }
0x1ae: {  	[tilespmem:s8], [sflag:$0x2] =	stream.indirect_vreg.gather [hbm4b:s30+s2], $0x80, v4, vm0, $0xb8;
	[tilespmem:$0x1B000] =	vst v63  }
0x1af: {  	_ = 	snop  }
0x1b0: {  	[tilespmem:s10], [sflag:$0x2] =	stream.indirect_vreg.gather [hbm4b:s31+s2], $0x80, v4, vm0, $0xb8;
	[tilespmem:$0x1B000] =	vst v63  }
0x1b1: {  	_ = 	snop  }
0x1b2: {  	[tilespmem:s12], [sflag:$0x2] =	stream.indirect_vreg.gather [hbm4b:s6+s2], $0x80, v3, vm0, $0xb8;
	[tilespmem:$0x1B000] =	vst v63  }
0x1b3: {  	_ = 	snop  }
0x1b4: {  	[tilespmem:s14], [sflag:$0x2] =	stream.indirect_vreg.gather [hbm4b:s29+s2], $0x80, v3, vm0, $0xb8;
	[tilespmem:$0x1B000] =	vst v63  }
0x1b5: {  	_ = 	snop  }
0x1b6: {  	[tilespmem:s16], [sflag:$0x2] =	stream.indirect_vreg.gather [hbm4b:s30+s2], $0x80, v3, vm0, $0xb8;
	[tilespmem:$0x1B000] =	vst v63  }
0x1b7: {  	_ = 	snop  }
0x1b8: {  	[tilespmem:s20], [sflag:$0x2] =	stream.indirect_vreg.gather [hbm4b:s31+s2], $0x80, v3, vm0, $0xb8;
	[tilespmem:$0x1B000] =	vst v63  }
0x1b9: {  	v3 =	vld [tilespmem:s1+$0x0];
	_ =	sdelay $0x4  }
0x1ba: {  	v63 =	vshll.u32 v3, $0x3  }
0x1bb: {  	v3 =	vand.u32 $0x7, v3;
	v4 =	vand.u32 $0xFFFFFFC0, v63  }
0x1bc: {  	v3 =	vor.u32 v3, v4  }
0x1bd: {  	v4 =	vperm.xlane v3, v0;
	_ =	sdelay $0x1  }
0x1be: {  	v4 =	vadd.s32 v1, v4;
	_ =	sdelay $0x4  }
0x1bf: {  	[tilespmem:s22], [sflag:$0x2] =	stream.indirect_vreg.gather [hbm4b:s6+s2], $0x80, v4, vm0, $0xb8;
	[tilespmem:$0x1B000] =	vst v63  }
0x1c0: {  	v3 =	vperm.xlane v3, v2  }
0x1c1: {  	[tilespmem:s5], [sflag:$0x2] =	stream.indirect_vreg.gather [hbm4b:s29+s2], $0x80, v4, vm0, $0xb8;
	[tilespmem:$0x1B000] =	vst v63  }
0x1c2: {  	v3 =	vadd.s32 v1, v3  }
0x1c3: {  	[tilespmem:s9], [sflag:$0x2] =	stream.indirect_vreg.gather [hbm4b:s30+s2], $0x80, v4, vm0, $0xb8;
	[tilespmem:$0x1B000] =	vst v63  }
0x1c4: {  	_ = 	snop  }
0x1c5: {  	[tilespmem:s11], [sflag:$0x2] =	stream.indirect_vreg.gather [hbm4b:s31+s2], $0x80, v4, vm0, $0xb8;
	[tilespmem:$0x1B000] =	vst v63  }
0x1c6: {  	_ = 	snop  }
0x1c7: {  	[tilespmem:s13], [sflag:$0x2] =	stream.indirect_vreg.gather [hbm4b:s6+s2], $0x80, v3, vm0, $0xb8;
	[tilespmem:$0x1B000] =	vst v63  }
0x1c8: {  	p0 =	sne.s32 s28, $0x1C000  }
0x1c9: {  	[tilespmem:s15], [sflag:$0x2] =	stream.indirect_vreg.gather [hbm4b:s29+s2], $0x80, v3, vm0, $0xb8;
	[tilespmem:$0x1B000] =	vst v63  }
.Ltmp1:
0x1ca: {  	_ = 	snop;
	(pc) =	sbr.rel @p0 .LBB2_4-.Ltmp1, $4  }
0x1cb: {  	_ = 	snop  }
0x1cc: {  	[tilespmem:s17], [sflag:$0x2] =	stream.indirect_vreg.gather [hbm4b:s30+s2], $0x80, v3, vm0, $0xb8;
	[tilespmem:$0x1B000] =	vst v63  }
0x1cd: {  	s28 =	sadd.s32 $0x2000, s28;
	s1 =	sadd.s32 $0x100, s1  }
0x1ce: {  	[tilespmem:s21], [sflag:$0x2] =	stream.indirect_vreg.gather [hbm4b:s31+s2], $0x80, v3, vm0, $0xb8;
	[tilespmem:$0x1B000] =	vst v63  }
0x1cf: {  	_ =	swait.ge [sflag:s25], $0x8000  }
0x1d0: {  	[sflag:s25] =	ssyncset.done $0x0  }
0x1d1: {  	s0 =	rddreg [dreg:$0x11];
	[sflag:s25] =	ssyncadd.s32 $0xFFFF8000  }
0x1d2: {  	[hbm4b:s0+s2] =	stream.linear.scatter [tilespmem:s19], [sflag:$0x3], $0x8000, $0x38;
	[tilespmem:$0x1B000] =	vst v63  }
0x1d3: {  	_ =	swait.ge [sflag:s18], $0x8000  }
0x1d4: {  	[sflag:s18] =	ssyncset.done $0x0  }
0x1d5: {  	s28 =	rddreg [dreg:$0x12];
	[sflag:s18] =	ssyncadd.s32 $0xFFFF8000  }
0x1d6: {  	[hbm4b:s28+s2] =	stream.linear.scatter [tilespmem:s19], [sflag:$0x3], $0x8000, $0x38;
	[tilespmem:$0x1B000] =	vst v63  }
0x1d7: {  	_ =	swait.ge [sflag:s18], $0x8000  }
0x1d8: {  	[sflag:s18] =	ssyncset.done $0x0  }
0x1d9: {  	[sflag:s18] =	ssyncadd.s32 $0xFFFF8000  }
0x1da: {  	_ =	swait.ge [sflag:s26], $0x8000  }
0x1db: {  	[sflag:s26] =	ssyncset.done $0x0  }
0x1dc: {  	s29 =	rddreg [dreg:$0x13];
	[sflag:s26] =	ssyncadd.s32 $0xFFFF8000  }
0x1dd: {  	[hbm4b:s29+s2] =	stream.linear.scatter [tilespmem:s7], [sflag:$0x3], $0x8000, $0x38;
	[tilespmem:$0x1B000] =	vst v63  }
0x1de: {  	_ =	swait.ge [sflag:s18], $0x8000  }
0x1df: {  	[sflag:s18] =	ssyncset.done $0x0  }
0x1e0: {  	s30 =	rddreg [dreg:$0x14];
	[sflag:s18] =	ssyncadd.s32 $0xFFFF8000  }
0x1e1: {  	[hbm4b:s30+s2] =	stream.linear.scatter [tilespmem:s7], [sflag:$0x3], $0x8000, $0x38;
	[tilespmem:$0x1B000] =	vst v63  }
0x1e2: {  	_ =	swait.ge [sflag:s18], $0x8000  }
0x1e3: {  	s3 =	simm.s32 $0xB800;
	s1 =	rddreg [dreg:$0x16]  }
0x1e4: {  	s5 =	simm.s32 $0xC000;
	s31 =	rddreg [dreg:$0x15];
	s1 =	sadd.s32 $0x1, s1  }
0x1e5: {  	s8 =	simm.s32 $0xC800;
	s9 =	simm.s32 $0xD000;
	p0 =	sne.s32 s1, s31  }
.Ltmp2:
0x1e6: {  	s10 =	simm.s32 $0xD800;
	s11 =	simm.s32 $0xE000;
	(pc) =	sbr.rel @p0 .LBB2_1-.Ltmp2, $4  }
0x1e7: {  	s12 =	simm.s32 $0xE800;
	s13 =	simm.s32 $0xF000;
	s14 =	simm.s32 $0xF800  }
0x1e8: {  	s15 =	simm.s32 $0x10000;
	s16 =	simm.s32 $0x10800;
	s17 =	simm.s32 $0x11000  }
0x1e9: {  	s20 =	simm.s32 $0x11800;
	s21 =	simm.s32 $0x12000;
	[sflag:s18] =	ssyncset.done $0x0  }
0x1ea: {  	s22 =	simm.s32 $0x12800;
	s24 =	simm.s32 $0x14000;
	[sflag:s18] =	ssyncadd.s32 $0xFFFF8000  }
0x1eb: {  	_ =	sfence.sel $0x180000  }
0x1ec: {  	[bflag:$0x0] =	sbarrier.arrive $0xFFFF  }
0x1ed: {  	_ =	strace $0x90000047  }
0x1ee: {  	s0 =	stileid.u32;
	[bflag:$0x2] =	sbarrier.arrive $0xFFFF  }
0x1ef: {  	p0 =	sne.s32 s0, $0x0;
	s0 =	rddreg [dreg:$0x5]  }
0x1f0: {  	s0 =	sadd.s32 @!p0 $0x100000, s0  }
0x1f1: {  	[sflag:s0] =	ssyncadd.tile.s32 @!p0 $0x1;
	_ =	shalt  }
.Lfunc_end2:
_tile_overlayer_lowered:
.L_overlay_start_2:
0x1f2: {  	(tag) =	ssettag $0x2  }
0x1f3: {  	s0 =	rddreg [dreg:$0x0];
	s2 =	stileid.u32  }
0x1f4: {  	s1 =	rddreg [dreg:$0x1];
	p0 =	sne.s32 s2, $0x0  }
0x1f5: {  	s3 =	rddreg [dreg:$0x2];
	[bflag:$0x3] =	sbarrier.arrive $0xFFFF;
	s2 =	simm.s32 @!p0 $0x1C03  }
0x1f6: {  	[timem:s3], [sflag:s2] =	dma.local @!p0 [hbm:s0], s1  }
0x1f7: {  	s0 =	simm.s32 @!p0 $0x3  }
0x1f8: {  	_ =	swait.ge @!p0 [sflag:s0], s1  }
0x1f9: {  	s1 =	ssub.s32 @!p0 $0x0, s1;
	[sflag:s0] =	ssyncset.done @!p0 $0x0  }
0x1fa: {  	[sflag:s0] =	ssyncadd.s32 @!p0 s1  }
0x1fb: {  	[bflag:$0x3] =	sbarrier.arrive $0xFFFF  }
0x1fc: {  	_ =	shalt  }

</sc_bundles>
